<compile_context>
chip_gen: v7x
topology: tpu7x:2x2x1
jax: 0.10.2.dev20260603
libtpu: 0.0.44.dev20260713+nightly
codegen_flags: <defaults>
</compile_context>

<pallas_src>
import functools

import jax
import jax.numpy as jnp
from jax import lax
from jax.experimental import pallas as pl
from jax.experimental.pallas import tpu as pltpu
from jax.experimental.pallas import tpu_sc as plsc

_N = 2048
_B = 128
_K = 8
_L = 16
_NC, _NS = 2, 16
_NW = _NC * _NS
_RPW = _B // _NW
_CH = _N // _L


@functools.partial(
    pl.kernel,
    out_type=jax.ShapeDtypeStruct((_B, _L), jnp.float32),
    mesh=plsc.VectorSubcoreMesh(
        core_axis_name="c", subcore_axis_name="s",
        num_cores=_NC, num_subcores=_NS),
    compiler_params=pltpu.CompilerParams(needs_layout_passes=False),
    scratch_types=[
        pltpu.VMEM((_RPW, _N), jnp.float32),
        pltpu.VMEM((_RPW, _N), jnp.float32),
        pltpu.VMEM((_RPW, _L), jnp.int32),
        pltpu.VMEM((_RPW, _L), jnp.float32),
        pltpu.SemaphoreType.DMA,
        pltpu.SemaphoreType.DMA,
    ],
)
def _sc_bottomk(logits_hbm, costs_hbm, out_hbm, lrows, crows, bots, obuf,
                sem_l, sem_c):
  wid = lax.axis_index("s") * _NC + lax.axis_index("c")
  base = wid * _RPW
  cps_c = [pltpu.async_copy(costs_hbm.at[base + r], crows.at[r], sem_c)
           for r in range(_RPW)]
  cp_l = pltpu.async_copy(logits_hbm.at[pl.ds(base, _RPW)], lrows, sem_l)

  lanes = lax.iota(jnp.int32, _L)

  def _merge2(a, b):
    m = jnp.minimum(a, lax.rev(b, (0,)))
    out, _ = plsc.sort_key_val(m, m)
    return out

  for r in range(_RPW):
    cps_c[r].wait()

    def body_a(i, ks):
      ks = list(ks)
      c = crows[r, pl.ds(i * _L, _L)]
      bits = plsc.bitcast(c, jnp.int32)
      x = plsc.bitcast((bits & jnp.int32(-2048)) | (lanes + (i << 4)),
                       jnp.float32)
      for j in range(_K):
        nk = jnp.minimum(ks[j], x)
        x = jnp.maximum(ks[j], x)
        ks[j] = nk
      return tuple(ks)

    init = tuple(jnp.full((_L,), jnp.inf, jnp.float32) for _ in range(_K))
    ks = lax.fori_loop(0, _CH, body_a, init)

    srt = [plsc.sort_key_val(k, k)[0] for k in ks]
    l1 = [_merge2(srt[0], srt[1]), _merge2(srt[2], srt[3]),
          _merge2(srt[4], srt[5]), _merge2(srt[6], srt[7])]
    l2 = [_merge2(l1[0], l1[1]), _merge2(l1[2], l1[3])]
    bots[r, :] = plsc.bitcast(_merge2(l2[0], l2[1]), jnp.int32)

  cp_l.wait()

  for r in range(_RPW):
    idx = bots[r, :] & jnp.int32(0x7FF)
    obuf[r, :] = plsc.load_gather(lrows, [jnp.full((_L,), r, jnp.int32), idx])

  pltpu.sync_copy(obuf, out_hbm.at[pl.ds(base, _RPW)])


def _tc_sumexp(x_ref, o_ref):
  o_ref[...] = jnp.sum(jnp.exp(x_ref[...]), axis=1, keepdims=True)


def _tc_combine(s_ref, g_ref, o_ref):
  s = s_ref[...]
  total = jnp.zeros((), jnp.float32)
  acc = jnp.zeros((_B, 1), jnp.float32)
  for i in range(_K):
    g = g_ref[:, i:i + 1]
    partial = s - acc
    total = total + jnp.sum(jnp.log(partial) - g)
    acc = acc + jnp.exp(g)
  o_ref[0, 0] = total * (1.0 / _B)


def kernel(logits, costs):
  bottom_logits = _sc_bottomk(logits, costs)
  denom = pl.pallas_call(
      _tc_sumexp,
      out_shape=jax.ShapeDtypeStruct((_B, 1), jnp.float32),
  )(logits)
  out = pl.pallas_call(
      _tc_combine,
      out_shape=jax.ShapeDtypeStruct((1, 1), jnp.float32),
      out_specs=pl.BlockSpec(memory_space=pltpu.SMEM),
  )(denom, bottom_logits)
  return out[0, 0]

# --- scband reference (transcript-rebuilt; emitter-appended) ---
"""Pipeline reference for scband-ranking-loss-21371757265329 (READ-ONLY COPY).

The authoritative reference and input builder live on the scoring server;
editing this copy changes nothing except your own understanding.
"""

import jax, jax.numpy as jnp
import numpy as np

NUM_SOLVERS = 2048
TOP_K = 8
BATCH = 128


def setup_inputs(seed: int = 0) -> dict:
    key = jax.random.key(seed)
    k1, k2 = jax.random.split(key)
    logits = jax.random.normal(k1, (BATCH, NUM_SOLVERS), dtype=jnp.float32)
    costs = jax.random.normal(k2, (BATCH, NUM_SOLVERS), dtype=jnp.float32)
    return {"logits": logits, "costs": costs}


def reference(logits, costs):
    # Faithful translation of RankingLoss.forward
    loss = jnp.float32(0.0)
    for i in range(TOP_K):
        # torch: costs.topk(num_solvers - i, largest=True) -> sorted descending values + indices
        cur_cost, ind = jax.lax.top_k(costs, NUM_SOLVERS - i)
        # torch: cur_cost.min(dim=1)[1] -> indices of min along dim 1
        cur_label = jnp.argmin(cur_cost, axis=1)
        # torch: take_along_dim(logits, ind, 1)
        cur_logits = jnp.take_along_axis(logits, ind, axis=1)
        # F.nll_loss(F.log_softmax(cur_logits, 1), cur_label) with mean reduction
        logp = jax.nn.log_softmax(cur_logits, axis=1)
        nll = -jnp.mean(logp[jnp.arange(logp.shape[0]), cur_label])
        loss = loss + nll
    return loss

if __name__ == "__main__":
    import jax
    _d = setup_inputs()
    print(jax.jit(kernel)(*tuple(_d.values())))

</pallas_src>

<mosaic_0001>
#map = affine_map<(d0, d1) -> (0, 0)>
module attributes {stable_mosaic.version = 14 : i64} {
  func.func @_sc_bottomk(%arg0: i32, %arg1: i32, %arg2: memref<128x2048xf32, #tpu.memory_space<hbm>>, %arg3: memref<128x2048xf32, #tpu.memory_space<hbm>>, %arg4: memref<128x16xf32, #tpu.memory_space<hbm>>, %arg5: memref<4x2048xf32, #tpu.memory_space<vmem>>, %arg6: memref<4x2048xf32, #tpu.memory_space<vmem>>, %arg7: memref<4x16xi32, #tpu.memory_space<vmem>>, %arg8: memref<4x16xf32, #tpu.memory_space<vmem>>, %arg9: memref<!tpu.dma_semaphore, #tpu.memory_space<semaphore_mem>>, %arg10: memref<!tpu.dma_semaphore, #tpu.memory_space<semaphore_mem>>) attributes {dimension_semantics = [#tpu.dimension_semantics<core_parallel>, #tpu.dimension_semantics<subcore_parallel>], iteration_bounds = array<i64: 2, 16>, scalar_prefetch = 0 : i64, scratch_operands = 6 : i64, tpu.core_type = #tpu.core_type<sc_vector_subcore>, window_params = [{transform_indices = #map}, {transform_indices = #map}, {transform_indices = #map}]} {
    %mul3A = arith.constant 2 : i32
    %mul3A_0 = arith.muli %arg1, %mul3A : i32
    %add3A = arith.addi %mul3A_0, %arg0 : i32
    %mul3A_1 = arith.constant 4 : i32
    %mul3A_2 = arith.muli %add3A, %mul3A_1 : i32
    %add3A_3 = arith.constant 0 : i32
    %add3A_4 = arith.addi %mul3A_2, %add3A_3 : i32
    %dma_start3A = arith.constant 0 : i32
    %dma_start3A_5 = arith.constant 0 : i32
    %dma_start3A_6 = tpu.memref_slice %arg6[%dma_start3A, %dma_start3A_5] : memref<4x2048xf32, #tpu.memory_space<vmem>> -> memref<1x2048xf32, #tpu.memory_space<vmem>>
    %dma_start3A_7 = tpu.memref_squeeze %dma_start3A_6 : memref<1x2048xf32, #tpu.memory_space<vmem>> -> memref<2048xf32, #tpu.memory_space<vmem>>
    %dma_start3A_8 = arith.constant 0 : i32
    %dma_start3A_9 = tpu.memref_slice %arg3[%add3A_4, %dma_start3A_8] : memref<128x2048xf32, #tpu.memory_space<hbm>> -> memref<1x2048xf32, #tpu.memory_space<hbm>>
    %dma_start3A_10 = tpu.memref_squeeze %dma_start3A_9 : memref<1x2048xf32, #tpu.memory_space<hbm>> -> memref<2048xf32, #tpu.memory_space<hbm>>
    %dma_start3A_11 = arith.constant 0 : i32
    %dma_start3A_12 = tpu.memref_slice %arg6[%dma_start3A, %dma_start3A_11] : memref<4x2048xf32, #tpu.memory_space<vmem>> -> memref<1x2048xf32, #tpu.memory_space<vmem>>
    %dma_start3A_13 = tpu.memref_squeeze %dma_start3A_12 : memref<1x2048xf32, #tpu.memory_space<vmem>> -> memref<2048xf32, #tpu.memory_space<vmem>>
    %dma_start3A_14 = arith.constant 0 : i32
    %dma_start3A_15 = tpu.memref_slice %arg3[%add3A_4, %dma_start3A_14] : memref<128x2048xf32, #tpu.memory_space<hbm>> -> memref<1x2048xf32, #tpu.memory_space<hbm>>
    %dma_start3A_16 = tpu.memref_squeeze %dma_start3A_15 : memref<1x2048xf32, #tpu.memory_space<hbm>> -> memref<2048xf32, #tpu.memory_space<hbm>>
    tpu.enqueue_dma source(%dma_start3A_16 : memref<2048xf32, #tpu.memory_space<hbm>>) target(%dma_start3A_13 : memref<2048xf32, #tpu.memory_space<vmem>>) target_semaphore(%arg10 : memref<!tpu.dma_semaphore, #tpu.memory_space<semaphore_mem>>)
    %add3A_17 = arith.constant 1 : i32
    %add3A_18 = arith.addi %mul3A_2, %add3A_17 : i32
    %dma_start3A_19 = arith.constant 1 : i32
    %dma_start3A_20 = arith.constant 0 : i32
    %dma_start3A_21 = tpu.memref_slice %arg6[%dma_start3A_19, %dma_start3A_20] : memref<4x2048xf32, #tpu.memory_space<vmem>> -> memref<1x2048xf32, #tpu.memory_space<vmem>>
    %dma_start3A_22 = tpu.memref_squeeze %dma_start3A_21 : memref<1x2048xf32, #tpu.memory_space<vmem>> -> memref<2048xf32, #tpu.memory_space<vmem>>
    %dma_start3A_23 = arith.constant 0 : i32
    %dma_start3A_24 = tpu.memref_slice %arg3[%add3A_18, %dma_start3A_23] : memref<128x2048xf32, #tpu.memory_space<hbm>> -> memref<1x2048xf32, #tpu.memory_space<hbm>>
    %dma_start3A_25 = tpu.memref_squeeze %dma_start3A_24 : memref<1x2048xf32, #tpu.memory_space<hbm>> -> memref<2048xf32, #tpu.memory_space<hbm>>
    %dma_start3A_26 = arith.constant 0 : i32
    %dma_start3A_27 = tpu.memref_slice %arg6[%dma_start3A_19, %dma_start3A_26] : memref<4x2048xf32, #tpu.memory_space<vmem>> -> memref<1x2048xf32, #tpu.memory_space<vmem>>
    %dma_start3A_28 = tpu.memref_squeeze %dma_start3A_27 : memref<1x2048xf32, #tpu.memory_space<vmem>> -> memref<2048xf32, #tpu.memory_space<vmem>>
    %dma_start3A_29 = arith.constant 0 : i32
    %dma_start3A_30 = tpu.memref_slice %arg3[%add3A_18, %dma_start3A_29] : memref<128x2048xf32, #tpu.memory_space<hbm>> -> memref<1x2048xf32, #tpu.memory_space<hbm>>
    %dma_start3A_31 = tpu.memref_squeeze %dma_start3A_30 : memref<1x2048xf32, #tpu.memory_space<hbm>> -> memref<2048xf32, #tpu.memory_space<hbm>>
    tpu.enqueue_dma source(%dma_start3A_31 : memref<2048xf32, #tpu.memory_space<hbm>>) target(%dma_start3A_28 : memref<2048xf32, #tpu.memory_space<vmem>>) target_semaphore(%arg10 : memref<!tpu.dma_semaphore, #tpu.memory_space<semaphore_mem>>)
    %add3A_32 = arith.constant 2 : i32
    %add3A_33 = arith.addi %mul3A_2, %add3A_32 : i32
    %dma_start3A_34 = arith.constant 2 : i32
    %dma_start3A_35 = arith.constant 0 : i32
    %dma_start3A_36 = tpu.memref_slice %arg6[%dma_start3A_34, %dma_start3A_35] : memref<4x2048xf32, #tpu.memory_space<vmem>> -> memref<1x2048xf32, #tpu.memory_space<vmem>>
    %dma_start3A_37 = tpu.memref_squeeze %dma_start3A_36 : memref<1x2048xf32, #tpu.memory_space<vmem>> -> memref<2048xf32, #tpu.memory_space<vmem>>
    %dma_start3A_38 = arith.constant 0 : i32
    %dma_start3A_39 = tpu.memref_slice %arg3[%add3A_33, %dma_start3A_38] : memref<128x2048xf32, #tpu.memory_space<hbm>> -> memref<1x2048xf32, #tpu.memory_space<hbm>>
    %dma_start3A_40 = tpu.memref_squeeze %dma_start3A_39 : memref<1x2048xf32, #tpu.memory_space<hbm>> -> memref<2048xf32, #tpu.memory_space<hbm>>
    %dma_start3A_41 = arith.constant 0 : i32
    %dma_start3A_42 = tpu.memref_slice %arg6[%dma_start3A_34, %dma_start3A_41] : memref<4x2048xf32, #tpu.memory_space<vmem>> -> memref<1x2048xf32, #tpu.memory_space<vmem>>
    %dma_start3A_43 = tpu.memref_squeeze %dma_start3A_42 : memref<1x2048xf32, #tpu.memory_space<vmem>> -> memref<2048xf32, #tpu.memory_space<vmem>>
    %dma_start3A_44 = arith.constant 0 : i32
    %dma_start3A_45 = tpu.memref_slice %arg3[%add3A_33, %dma_start3A_44] : memref<128x2048xf32, #tpu.memory_space<hbm>> -> memref<1x2048xf32, #tpu.memory_space<hbm>>
    %dma_start3A_46 = tpu.memref_squeeze %dma_start3A_45 : memref<1x2048xf32, #tpu.memory_space<hbm>> -> memref<2048xf32, #tpu.memory_space<hbm>>
    tpu.enqueue_dma source(%dma_start3A_46 : memref<2048xf32, #tpu.memory_space<hbm>>) target(%dma_start3A_43 : memref<2048xf32, #tpu.memory_space<vmem>>) target_semaphore(%arg10 : memref<!tpu.dma_semaphore, #tpu.memory_space<semaphore_mem>>)
    %add3A_47 = arith.constant 3 : i32
    %add3A_48 = arith.addi %mul3A_2, %add3A_47 : i32
    %dma_start3A_49 = arith.constant 3 : i32
    %dma_start3A_50 = arith.constant 0 : i32
    %dma_start3A_51 = tpu.memref_slice %arg6[%dma_start3A_49, %dma_start3A_50] : memref<4x2048xf32, #tpu.memory_space<vmem>> -> memref<1x2048xf32, #tpu.memory_space<vmem>>
    %dma_start3A_52 = tpu.memref_squeeze %dma_start3A_51 : memref<1x2048xf32, #tpu.memory_space<vmem>> -> memref<2048xf32, #tpu.memory_space<vmem>>
    %dma_start3A_53 = arith.constant 0 : i32
    %dma_start3A_54 = tpu.memref_slice %arg3[%add3A_48, %dma_start3A_53] : memref<128x2048xf32, #tpu.memory_space<hbm>> -> memref<1x2048xf32, #tpu.memory_space<hbm>>
    %dma_start3A_55 = tpu.memref_squeeze %dma_start3A_54 : memref<1x2048xf32, #tpu.memory_space<hbm>> -> memref<2048xf32, #tpu.memory_space<hbm>>
    %dma_start3A_56 = arith.constant 0 : i32
    %dma_start3A_57 = tpu.memref_slice %arg6[%dma_start3A_49, %dma_start3A_56] : memref<4x2048xf32, #tpu.memory_space<vmem>> -> memref<1x2048xf32, #tpu.memory_space<vmem>>
    %dma_start3A_58 = tpu.memref_squeeze %dma_start3A_57 : memref<1x2048xf32, #tpu.memory_space<vmem>> -> memref<2048xf32, #tpu.memory_space<vmem>>
    %dma_start3A_59 = arith.constant 0 : i32
    %dma_start3A_60 = tpu.memref_slice %arg3[%add3A_48, %dma_start3A_59] : memref<128x2048xf32, #tpu.memory_space<hbm>> -> memref<1x2048xf32, #tpu.memory_space<hbm>>
    %dma_start3A_61 = tpu.memref_squeeze %dma_start3A_60 : memref<1x2048xf32, #tpu.memory_space<hbm>> -> memref<2048xf32, #tpu.memory_space<hbm>>
    tpu.enqueue_dma source(%dma_start3A_61 : memref<2048xf32, #tpu.memory_space<hbm>>) target(%dma_start3A_58 : memref<2048xf32, #tpu.memory_space<vmem>>) target_semaphore(%arg10 : memref<!tpu.dma_semaphore, #tpu.memory_space<semaphore_mem>>)
    %dma_start3A_62 = arith.constant 0 : i32
    %dma_start3A_63 = tpu.memref_slice %arg2[%mul3A_2, %dma_start3A_62] : memref<128x2048xf32, #tpu.memory_space<hbm>> -> memref<4x2048xf32, #tpu.memory_space<hbm>>
    %dma_start3A_64 = arith.constant 0 : i32
    %dma_start3A_65 = tpu.memref_slice %arg2[%mul3A_2, %dma_start3A_64] : memref<128x2048xf32, #tpu.memory_space<hbm>> -> memref<4x2048xf32, #tpu.memory_space<hbm>>
    tpu.enqueue_dma source(%dma_start3A_65 : memref<4x2048xf32, #tpu.memory_space<hbm>>) target(%arg5 : memref<4x2048xf32, #tpu.memory_space<vmem>>) target_semaphore(%arg9 : memref<!tpu.dma_semaphore, #tpu.memory_space<semaphore_mem>>)
    %iota3A = tpu.iota {dimensions = array<i32: 0>} : vector<16xi32>
    %dma_wait3A = arith.constant 0 : i32
    %dma_wait3A_66 = arith.constant 0 : i32
    %dma_wait3A_67 = tpu.memref_slice %arg6[%dma_wait3A, %dma_wait3A_66] : memref<4x2048xf32, #tpu.memory_space<vmem>> -> memref<1x2048xf32, #tpu.memory_space<vmem>>
    %dma_wait3A_68 = tpu.memref_squeeze %dma_wait3A_67 : memref<1x2048xf32, #tpu.memory_space<vmem>> -> memref<2048xf32, #tpu.memory_space<vmem>>
    %dma_wait3A_69 = arith.constant 0 : i32
    %dma_wait3A_70 = tpu.memref_slice %arg3[%add3A_4, %dma_wait3A_69] : memref<128x2048xf32, #tpu.memory_space<hbm>> -> memref<1x2048xf32, #tpu.memory_space<hbm>>
    %dma_wait3A_71 = tpu.memref_squeeze %dma_wait3A_70 : memref<1x2048xf32, #tpu.memory_space<hbm>> -> memref<2048xf32, #tpu.memory_space<hbm>>
    %dma_wait3A_72 = arith.constant 0 : i32
    %dma_wait3A_73 = tpu.memref_slice %arg6[%dma_wait3A, %dma_wait3A_72] : memref<4x2048xf32, #tpu.memory_space<vmem>> -> memref<1x2048xf32, #tpu.memory_space<vmem>>
    %dma_wait3A_74 = tpu.memref_squeeze %dma_wait3A_73 : memref<1x2048xf32, #tpu.memory_space<vmem>> -> memref<2048xf32, #tpu.memory_space<vmem>>
    %dma_wait3A_75 = arith.constant 0 : i32
    %dma_wait3A_76 = tpu.memref_slice %arg3[%add3A_4, %dma_wait3A_75] : memref<128x2048xf32, #tpu.memory_space<hbm>> -> memref<1x2048xf32, #tpu.memory_space<hbm>>
    %dma_wait3A_77 = tpu.memref_squeeze %dma_wait3A_76 : memref<1x2048xf32, #tpu.memory_space<hbm>> -> memref<2048xf32, #tpu.memory_space<hbm>>
    tpu.wait_dma2 semaphore(%arg10 : memref<!tpu.dma_semaphore, #tpu.memory_space<semaphore_mem>>) src(%dma_wait3A_77 : memref<2048xf32, #tpu.memory_space<hbm>>) dst(%dma_wait3A_74 : memref<2048xf32, #tpu.memory_space<vmem>>)
    %broadcast_in_dim3A = arith.constant 0x7F800000 : f32
    %broadcast_in_dim3A_78 = vector.broadcast %broadcast_in_dim3A : f32 to vector<16xf32>
    %broadcast_in_dim3A_79 = arith.constant 0x7F800000 : f32
    %broadcast_in_dim3A_80 = vector.broadcast %broadcast_in_dim3A_79 : f32 to vector<16xf32>
    %broadcast_in_dim3A_81 = arith.constant 0x7F800000 : f32
    %broadcast_in_dim3A_82 = vector.broadcast %broadcast_in_dim3A_81 : f32 to vector<16xf32>
    %broadcast_in_dim3A_83 = arith.constant 0x7F800000 : f32
    %broadcast_in_dim3A_84 = vector.broadcast %broadcast_in_dim3A_83 : f32 to vector<16xf32>
    %broadcast_in_dim3A_85 = arith.constant 0x7F800000 : f32
    %broadcast_in_dim3A_86 = vector.broadcast %broadcast_in_dim3A_85 : f32 to vector<16xf32>
    %broadcast_in_dim3A_87 = arith.constant 0x7F800000 : f32
    %broadcast_in_dim3A_88 = vector.broadcast %broadcast_in_dim3A_87 : f32 to vector<16xf32>
    %broadcast_in_dim3A_89 = arith.constant 0x7F800000 : f32
    %broadcast_in_dim3A_90 = vector.broadcast %broadcast_in_dim3A_89 : f32 to vector<16xf32>
    %broadcast_in_dim3A_91 = arith.constant 0x7F800000 : f32
    %broadcast_in_dim3A_92 = vector.broadcast %broadcast_in_dim3A_91 : f32 to vector<16xf32>
    %scan3A = arith.constant 0 : i32
    %scan3A_93 = arith.constant 128 : i32
    %scan3A_94 = arith.addi %scan3A, %scan3A_93 : i32
    %scan3A_95 = arith.constant 1 : i32
    %scan3A_96:8 = scf.for %scan3A_683 = %scan3A to %scan3A_94 step %scan3A_95 iter_args(%scan3A_684 = %broadcast_in_dim3A_78, %scan3A_685 = %broadcast_in_dim3A_80, %scan3A_686 = %broadcast_in_dim3A_82, %scan3A_687 = %broadcast_in_dim3A_84, %scan3A_688 = %broadcast_in_dim3A_86, %scan3A_689 = %broadcast_in_dim3A_88, %scan3A_690 = %broadcast_in_dim3A_90, %scan3A_691 = %broadcast_in_dim3A_92) -> (vector<16xf32>, vector<16xf32>, vector<16xf32>, vector<16xf32>, vector<16xf32>, vector<16xf32>, vector<16xf32>, vector<16xf32>)  : i32 {
      %mul3A_692 = arith.constant 16 : i32
      %mul3A_693 = arith.muli %scan3A_683, %mul3A_692 : i32
      %get3A_694 = arith.constant 0 : i32
      %get3A_695 = arith.index_cast %get3A_694 : i32 to index
      %get3A_696 = arith.index_cast %mul3A_693 : i32 to index
      %get3A_697 = tpu.vector_load %arg6[%get3A_695, %get3A_696] {strides = array<i32>} : memref<4x2048xf32, #tpu.memory_space<vmem>>, vector<16xf32>,
      %bitcast3A_698 = vector.bitcast %get3A_697 : vector<16xf32> to vector<16xi32>
      %and3A_699 = arith.constant -2048 : i32
      %and3A_700 = vector.broadcast %and3A_699 : i32 to vector<16xi32>
      %and3A_701 = arith.andi %bitcast3A_698, %and3A_700 : vector<16xi32>
      %shift_left3A = arith.constant 4 : i32
      %shift_left3A_702 = arith.shli %scan3A_683, %shift_left3A : i32
      %add3A_703 = vector.broadcast %shift_left3A_702 : i32 to vector<16xi32>
      %add3A_704 = arith.addi %iota3A, %add3A_703 : vector<16xi32>
      %or3A = arith.ori %and3A_701, %add3A_704 : vector<16xi32>
      %bitcast3A_705 = vector.bitcast %or3A : vector<16xi32> to vector<16xf32>
      %min3A_706 = arith.minimumf %scan3A_684, %bitcast3A_705 : vector<16xf32>
      %max3A = arith.maximumf %scan3A_684, %bitcast3A_705 : vector<16xf32>
      %min3A_707 = arith.minimumf %scan3A_685, %max3A : vector<16xf32>
      %max3A_708 = arith.maximumf %scan3A_685, %max3A : vector<16xf32>
      %min3A_709 = arith.minimumf %scan3A_686, %max3A_708 : vector<16xf32>
      %max3A_710 = arith.maximumf %scan3A_686, %max3A_708 : vector<16xf32>
      %min3A_711 = arith.minimumf %scan3A_687, %max3A_710 : vector<16xf32>
      %max3A_712 = arith.maximumf %scan3A_687, %max3A_710 : vector<16xf32>
      %min3A_713 = arith.minimumf %scan3A_688, %max3A_712 : vector<16xf32>
      %max3A_714 = arith.maximumf %scan3A_688, %max3A_712 : vector<16xf32>
      %min3A_715 = arith.minimumf %scan3A_689, %max3A_714 : vector<16xf32>
      %max3A_716 = arith.maximumf %scan3A_689, %max3A_714 : vector<16xf32>
      %min3A_717 = arith.minimumf %scan3A_690, %max3A_716 : vector<16xf32>
      %max3A_718 = arith.maximumf %scan3A_690, %max3A_716 : vector<16xf32>
      %min3A_719 = arith.minimumf %scan3A_691, %max3A_718 : vector<16xf32>
      %max3A_720 = arith.maximumf %scan3A_691, %max3A_718 : vector<16xf32>
      scf.yield %min3A_706, %min3A_707, %min3A_709, %min3A_711, %min3A_713, %min3A_715, %min3A_717, %min3A_719 : vector<16xf32>, vector<16xf32>, vector<16xf32>, vector<16xf32>, vector<16xf32>, vector<16xf32>, vector<16xf32>, vector<16xf32>
    }
    %scan3A_97 = arith.constant 128 : i32
    %masked_sort3A = arith.constant dense<true> : vector<16xi1>
    %masked_sort3A_98, %masked_sort3A_99, %masked_sort3A_100 = tpu.sort %scan3A_96#0, %scan3A_96#0 masked %masked_sort3A : (vector<16xf32>, vector<16xf32>, vector<16xi1>) -> (vector<16xi1>, vector<16xf32>, vector<16xf32>)
    %masked_sort3A_101 = arith.constant dense<true> : vector<16xi1>
    %masked_sort3A_102, %masked_sort3A_103, %masked_sort3A_104 = tpu.sort %scan3A_96#1, %scan3A_96#1 masked %masked_sort3A_101 : (vector<16xf32>, vector<16xf32>, vector<16xi1>) -> (vector<16xi1>, vector<16xf32>, vector<16xf32>)
    %masked_sort3A_105 = arith.constant dense<true> : vector<16xi1>
    %masked_sort3A_106, %masked_sort3A_107, %masked_sort3A_108 = tpu.sort %scan3A_96#2, %scan3A_96#2 masked %masked_sort3A_105 : (vector<16xf32>, vector<16xf32>, vector<16xi1>) -> (vector<16xi1>, vector<16xf32>, vector<16xf32>)
    %masked_sort3A_109 = arith.constant dense<true> : vector<16xi1>
    %masked_sort3A_110, %masked_sort3A_111, %masked_sort3A_112 = tpu.sort %scan3A_96#3, %scan3A_96#3 masked %masked_sort3A_109 : (vector<16xf32>, vector<16xf32>, vector<16xi1>) -> (vector<16xi1>, vector<16xf32>, vector<16xf32>)
    %masked_sort3A_113 = arith.constant dense<true> : vector<16xi1>
    %masked_sort3A_114, %masked_sort3A_115, %masked_sort3A_116 = tpu.sort %scan3A_96#4, %scan3A_96#4 masked %masked_sort3A_113 : (vector<16xf32>, vector<16xf32>, vector<16xi1>) -> (vector<16xi1>, vector<16xf32>, vector<16xf32>)
    %masked_sort3A_117 = arith.constant dense<true> : vector<16xi1>
    %masked_sort3A_118, %masked_sort3A_119, %masked_sort3A_120 = tpu.sort %scan3A_96#5, %scan3A_96#5 masked %masked_sort3A_117 : (vector<16xf32>, vector<16xf32>, vector<16xi1>) -> (vector<16xi1>, vector<16xf32>, vector<16xf32>)
    %masked_sort3A_121 = arith.constant dense<true> : vector<16xi1>
    %masked_sort3A_122, %masked_sort3A_123, %masked_sort3A_124 = tpu.sort %scan3A_96#6, %scan3A_96#6 masked %masked_sort3A_121 : (vector<16xf32>, vector<16xf32>, vector<16xi1>) -> (vector<16xi1>, vector<16xf32>, vector<16xf32>)
    %masked_sort3A_125 = arith.constant dense<true> : vector<16xi1>
    %masked_sort3A_126, %masked_sort3A_127, %masked_sort3A_128 = tpu.sort %scan3A_96#7, %scan3A_96#7 masked %masked_sort3A_125 : (vector<16xf32>, vector<16xf32>, vector<16xi1>) -> (vector<16xi1>, vector<16xf32>, vector<16xf32>)
    %rev3A = arith.constant 15 : i32
    %rev3A_129 = vector.broadcast %rev3A : i32 to vector<16xi32>
    %rev3A_130 = tpu.iota {dimensions = array<i32: 0>} : vector<16xi32>
    %rev3A_131 = arith.subi %rev3A_129, %rev3A_130 : vector<16xi32>
    %rev3A_132 = tpu.dynamic_gather %masked_sort3A_103[%rev3A_131] in [0] : vector<16xf32>, vector<16xi32> -> vector<16xf32>
    %min3A = arith.minimumf %masked_sort3A_99, %rev3A_132 : vector<16xf32>
    %masked_sort3A_133 = arith.constant dense<true> : vector<16xi1>
    %masked_sort3A_134, %masked_sort3A_135, %masked_sort3A_136 = tpu.sort %min3A, %min3A masked %masked_sort3A_133 : (vector<16xf32>, vector<16xf32>, vector<16xi1>) -> (vector<16xi1>, vector<16xf32>, vector<16xf32>)
    %rev3A_137 = arith.constant 15 : i32
    %rev3A_138 = vector.broadcast %rev3A_137 : i32 to vector<16xi32>
    %rev3A_139 = tpu.iota {dimensions = array<i32: 0>} : vector<16xi32>
    %rev3A_140 = arith.subi %rev3A_138, %rev3A_139 : vector<16xi32>
    %rev3A_141 = tpu.dynamic_gather %masked_sort3A_111[%rev3A_140] in [0] : vector<16xf32>, vector<16xi32> -> vector<16xf32>
    %min3A_142 = arith.minimumf %masked_sort3A_107, %rev3A_141 : vector<16xf32>
    %masked_sort3A_143 = arith.constant dense<true> : vector<16xi1>
    %masked_sort3A_144, %masked_sort3A_145, %masked_sort3A_146 = tpu.sort %min3A_142, %min3A_142 masked %masked_sort3A_143 : (vector<16xf32>, vector<16xf32>, vector<16xi1>) -> (vector<16xi1>, vector<16xf32>, vector<16xf32>)
    %rev3A_147 = arith.constant 15 : i32
    %rev3A_148 = vector.broadcast %rev3A_147 : i32 to vector<16xi32>
    %rev3A_149 = tpu.iota {dimensions = array<i32: 0>} : vector<16xi32>
    %rev3A_150 = arith.subi %rev3A_148, %rev3A_149 : vector<16xi32>
    %rev3A_151 = tpu.dynamic_gather %masked_sort3A_119[%rev3A_150] in [0] : vector<16xf32>, vector<16xi32> -> vector<16xf32>
    %min3A_152 = arith.minimumf %masked_sort3A_115, %rev3A_151 : vector<16xf32>
    %masked_sort3A_153 = arith.constant dense<true> : vector<16xi1>
    %masked_sort3A_154, %masked_sort3A_155, %masked_sort3A_156 = tpu.sort %min3A_152, %min3A_152 masked %masked_sort3A_153 : (vector<16xf32>, vector<16xf32>, vector<16xi1>) -> (vector<16xi1>, vector<16xf32>, vector<16xf32>)
    %rev3A_157 = arith.constant 15 : i32
    %rev3A_158 = vector.broadcast %rev3A_157 : i32 to vector<16xi32>
    %rev3A_159 = tpu.iota {dimensions = array<i32: 0>} : vector<16xi32>
    %rev3A_160 = arith.subi %rev3A_158, %rev3A_159 : vector<16xi32>
    %rev3A_161 = tpu.dynamic_gather %masked_sort3A_127[%rev3A_160] in [0] : vector<16xf32>, vector<16xi32> -> vector<16xf32>
    %min3A_162 = arith.minimumf %masked_sort3A_123, %rev3A_161 : vector<16xf32>
    %masked_sort3A_163 = arith.constant dense<true> : vector<16xi1>
    %masked_sort3A_164, %masked_sort3A_165, %masked_sort3A_166 = tpu.sort %min3A_162, %min3A_162 masked %masked_sort3A_163 : (vector<16xf32>, vector<16xf32>, vector<16xi1>) -> (vector<16xi1>, vector<16xf32>, vector<16xf32>)
    %rev3A_167 = arith.constant 15 : i32
    %rev3A_168 = vector.broadcast %rev3A_167 : i32 to vector<16xi32>
    %rev3A_169 = tpu.iota {dimensions = array<i32: 0>} : vector<16xi32>
    %rev3A_170 = arith.subi %rev3A_168, %rev3A_169 : vector<16xi32>
    %rev3A_171 = tpu.dynamic_gather %masked_sort3A_145[%rev3A_170] in [0] : vector<16xf32>, vector<16xi32> -> vector<16xf32>
    %min3A_172 = arith.minimumf %masked_sort3A_135, %rev3A_171 : vector<16xf32>
    %masked_sort3A_173 = arith.constant dense<true> : vector<16xi1>
    %masked_sort3A_174, %masked_sort3A_175, %masked_sort3A_176 = tpu.sort %min3A_172, %min3A_172 masked %masked_sort3A_173 : (vector<16xf32>, vector<16xf32>, vector<16xi1>) -> (vector<16xi1>, vector<16xf32>, vector<16xf32>)
    %rev3A_177 = arith.constant 15 : i32
    %rev3A_178 = vector.broadcast %rev3A_177 : i32 to vector<16xi32>
    %rev3A_179 = tpu.iota {dimensions = array<i32: 0>} : vector<16xi32>
    %rev3A_180 = arith.subi %rev3A_178, %rev3A_179 : vector<16xi32>
    %rev3A_181 = tpu.dynamic_gather %masked_sort3A_165[%rev3A_180] in [0] : vector<16xf32>, vector<16xi32> -> vector<16xf32>
    %min3A_182 = arith.minimumf %masked_sort3A_155, %rev3A_181 : vector<16xf32>
    %masked_sort3A_183 = arith.constant dense<true> : vector<16xi1>
    %masked_sort3A_184, %masked_sort3A_185, %masked_sort3A_186 = tpu.sort %min3A_182, %min3A_182 masked %masked_sort3A_183 : (vector<16xf32>, vector<16xf32>, vector<16xi1>) -> (vector<16xi1>, vector<16xf32>, vector<16xf32>)
    %rev3A_187 = arith.constant 15 : i32
    %rev3A_188 = vector.broadcast %rev3A_187 : i32 to vector<16xi32>
    %rev3A_189 = tpu.iota {dimensions = array<i32: 0>} : vector<16xi32>
    %rev3A_190 = arith.subi %rev3A_188, %rev3A_189 : vector<16xi32>
    %rev3A_191 = tpu.dynamic_gather %masked_sort3A_185[%rev3A_190] in [0] : vector<16xf32>, vector<16xi32> -> vector<16xf32>
    %min3A_192 = arith.minimumf %masked_sort3A_175, %rev3A_191 : vector<16xf32>
    %masked_sort3A_193 = arith.constant dense<true> : vector<16xi1>
    %masked_sort3A_194, %masked_sort3A_195, %masked_sort3A_196 = tpu.sort %min3A_192, %min3A_192 masked %masked_sort3A_193 : (vector<16xf32>, vector<16xf32>, vector<16xi1>) -> (vector<16xi1>, vector<16xf32>, vector<16xf32>)
    %bitcast3A = vector.bitcast %masked_sort3A_195 : vector<16xf32> to vector<16xi32>
    %swap3A = arith.constant 0 : i32
    %swap3A_197 = arith.index_cast %swap3A : i32 to index
    %swap3A_198 = arith.constant 0 : index
    %swap3A_199 = tpu.vector_load %arg7[%swap3A_197, %swap3A_198] {strides = array<i32>} : memref<4x16xi32, #tpu.memory_space<vmem>>, vector<16xi32>,
    tpu.vector_store %arg7[%swap3A_197, %swap3A_198], %bitcast3A {strides = array<i32>} : memref<4x16xi32, #tpu.memory_space<vmem>>, vector<16xi32>,
    %dma_wait3A_200 = arith.constant 1 : i32
    %dma_wait3A_201 = arith.constant 0 : i32
    %dma_wait3A_202 = tpu.memref_slice %arg6[%dma_wait3A_200, %dma_wait3A_201] : memref<4x2048xf32, #tpu.memory_space<vmem>> -> memref<1x2048xf32, #tpu.memory_space<vmem>>
    %dma_wait3A_203 = tpu.memref_squeeze %dma_wait3A_202 : memref<1x2048xf32, #tpu.memory_space<vmem>> -> memref<2048xf32, #tpu.memory_space<vmem>>
    %dma_wait3A_204 = arith.constant 0 : i32
    %dma_wait3A_205 = tpu.memref_slice %arg3[%add3A_18, %dma_wait3A_204] : memref<128x2048xf32, #tpu.memory_space<hbm>> -> memref<1x2048xf32, #tpu.memory_space<hbm>>
    %dma_wait3A_206 = tpu.memref_squeeze %dma_wait3A_205 : memref<1x2048xf32, #tpu.memory_space<hbm>> -> memref<2048xf32, #tpu.memory_space<hbm>>
    %dma_wait3A_207 = arith.constant 0 : i32
    %dma_wait3A_208 = tpu.memref_slice %arg6[%dma_wait3A_200, %dma_wait3A_207] : memref<4x2048xf32, #tpu.memory_space<vmem>> -> memref<1x2048xf32, #tpu.memory_space<vmem>>
    %dma_wait3A_209 = tpu.memref_squeeze %dma_wait3A_208 : memref<1x2048xf32, #tpu.memory_space<vmem>> -> memref<2048xf32, #tpu.memory_space<vmem>>
    %dma_wait3A_210 = arith.constant 0 : i32
    %dma_wait3A_211 = tpu.memref_slice %arg3[%add3A_18, %dma_wait3A_210] : memref<128x2048xf32, #tpu.memory_space<hbm>> -> memref<1x2048xf32, #tpu.memory_space<hbm>>
    %dma_wait3A_212 = tpu.memref_squeeze %dma_wait3A_211 : memref<1x2048xf32, #tpu.memory_space<hbm>> -> memref<2048xf32, #tpu.memory_space<hbm>>
    tpu.wait_dma2 semaphore(%arg10 : memref<!tpu.dma_semaphore, #tpu.memory_space<semaphore_mem>>) src(%dma_wait3A_212 : memref<2048xf32, #tpu.memory_space<hbm>>) dst(%dma_wait3A_209 : memref<2048xf32, #tpu.memory_space<vmem>>)
    %broadcast_in_dim3A_213 = arith.constant 0x7F800000 : f32
    %broadcast_in_dim3A_214 = vector.broadcast %broadcast_in_dim3A_213 : f32 to vector<16xf32>
    %broadcast_in_dim3A_215 = arith.constant 0x7F800000 : f32
    %broadcast_in_dim3A_216 = vector.broadcast %broadcast_in_dim3A_215 : f32 to vector<16xf32>
    %broadcast_in_dim3A_217 = arith.constant 0x7F800000 : f32
    %broadcast_in_dim3A_218 = vector.broadcast %broadcast_in_dim3A_217 : f32 to vector<16xf32>
    %broadcast_in_dim3A_219 = arith.constant 0x7F800000 : f32
    %broadcast_in_dim3A_220 = vector.broadcast %broadcast_in_dim3A_219 : f32 to vector<16xf32>
    %broadcast_in_dim3A_221 = arith.constant 0x7F800000 : f32
    %broadcast_in_dim3A_222 = vector.broadcast %broadcast_in_dim3A_221 : f32 to vector<16xf32>
    %broadcast_in_dim3A_223 = arith.constant 0x7F800000 : f32
    %broadcast_in_dim3A_224 = vector.broadcast %broadcast_in_dim3A_223 : f32 to vector<16xf32>
    %broadcast_in_dim3A_225 = arith.constant 0x7F800000 : f32
    %broadcast_in_dim3A_226 = vector.broadcast %broadcast_in_dim3A_225 : f32 to vector<16xf32>
    %broadcast_in_dim3A_227 = arith.constant 0x7F800000 : f32
    %broadcast_in_dim3A_228 = vector.broadcast %broadcast_in_dim3A_227 : f32 to vector<16xf32>
    %scan3A_229 = arith.constant 0 : i32
    %scan3A_230 = arith.constant 128 : i32
    %scan3A_231 = arith.addi %scan3A_229, %scan3A_230 : i32
    %scan3A_232 = arith.constant 1 : i32
    %scan3A_233:8 = scf.for %scan3A_683 = %scan3A_229 to %scan3A_231 step %scan3A_232 iter_args(%scan3A_684 = %broadcast_in_dim3A_214, %scan3A_685 = %broadcast_in_dim3A_216, %scan3A_686 = %broadcast_in_dim3A_218, %scan3A_687 = %broadcast_in_dim3A_220, %scan3A_688 = %broadcast_in_dim3A_222, %scan3A_689 = %broadcast_in_dim3A_224, %scan3A_690 = %broadcast_in_dim3A_226, %scan3A_691 = %broadcast_in_dim3A_228) -> (vector<16xf32>, vector<16xf32>, vector<16xf32>, vector<16xf32>, vector<16xf32>, vector<16xf32>, vector<16xf32>, vector<16xf32>)  : i32 {
      %mul3A_692 = arith.constant 16 : i32
      %mul3A_693 = arith.muli %scan3A_683, %mul3A_692 : i32
      %get3A_694 = arith.constant 1 : i32
      %get3A_695 = arith.index_cast %get3A_694 : i32 to index
      %get3A_696 = arith.index_cast %mul3A_693 : i32 to index
      %get3A_697 = tpu.vector_load %arg6[%get3A_695, %get3A_696] {strides = array<i32>} : memref<4x2048xf32, #tpu.memory_space<vmem>>, vector<16xf32>,
      %bitcast3A_698 = vector.bitcast %get3A_697 : vector<16xf32> to vector<16xi32>
      %and3A_699 = arith.constant -2048 : i32
      %and3A_700 = vector.broadcast %and3A_699 : i32 to vector<16xi32>
      %and3A_701 = arith.andi %bitcast3A_698, %and3A_700 : vector<16xi32>
      %shift_left3A = arith.constant 4 : i32
      %shift_left3A_702 = arith.shli %scan3A_683, %shift_left3A : i32
      %add3A_703 = vector.broadcast %shift_left3A_702 : i32 to vector<16xi32>
      %add3A_704 = arith.addi %iota3A, %add3A_703 : vector<16xi32>
      %or3A = arith.ori %and3A_701, %add3A_704 : vector<16xi32>
      %bitcast3A_705 = vector.bitcast %or3A : vector<16xi32> to vector<16xf32>
      %min3A_706 = arith.minimumf %scan3A_684, %bitcast3A_705 : vector<16xf32>
      %max3A = arith.maximumf %scan3A_684, %bitcast3A_705 : vector<16xf32>
      %min3A_707 = arith.minimumf %scan3A_685, %max3A : vector<16xf32>
      %max3A_708 = arith.maximumf %scan3A_685, %max3A : vector<16xf32>
      %min3A_709 = arith.minimumf %scan3A_686, %max3A_708 : vector<16xf32>
      %max3A_710 = arith.maximumf %scan3A_686, %max3A_708 : vector<16xf32>
      %min3A_711 = arith.minimumf %scan3A_687, %max3A_710 : vector<16xf32>
      %max3A_712 = arith.maximumf %scan3A_687, %max3A_710 : vector<16xf32>
      %min3A_713 = arith.minimumf %scan3A_688, %max3A_712 : vector<16xf32>
      %max3A_714 = arith.maximumf %scan3A_688, %max3A_712 : vector<16xf32>
      %min3A_715 = arith.minimumf %scan3A_689, %max3A_714 : vector<16xf32>
      %max3A_716 = arith.maximumf %scan3A_689, %max3A_714 : vector<16xf32>
      %min3A_717 = arith.minimumf %scan3A_690, %max3A_716 : vector<16xf32>
      %max3A_718 = arith.maximumf %scan3A_690, %max3A_716 : vector<16xf32>
      %min3A_719 = arith.minimumf %scan3A_691, %max3A_718 : vector<16xf32>
      %max3A_720 = arith.maximumf %scan3A_691, %max3A_718 : vector<16xf32>
      scf.yield %min3A_706, %min3A_707, %min3A_709, %min3A_711, %min3A_713, %min3A_715, %min3A_717, %min3A_719 : vector<16xf32>, vector<16xf32>, vector<16xf32>, vector<16xf32>, vector<16xf32>, vector<16xf32>, vector<16xf32>, vector<16xf32>
    }
    %scan3A_234 = arith.constant 128 : i32
    %masked_sort3A_235 = arith.constant dense<true> : vector<16xi1>
    %masked_sort3A_236, %masked_sort3A_237, %masked_sort3A_238 = tpu.sort %scan3A_233#0, %scan3A_233#0 masked %masked_sort3A_235 : (vector<16xf32>, vector<16xf32>, vector<16xi1>) -> (vector<16xi1>, vector<16xf32>, vector<16xf32>)
    %masked_sort3A_239 = arith.constant dense<true> : vector<16xi1>
    %masked_sort3A_240, %masked_sort3A_241, %masked_sort3A_242 = tpu.sort %scan3A_233#1, %scan3A_233#1 masked %masked_sort3A_239 : (vector<16xf32>, vector<16xf32>, vector<16xi1>) -> (vector<16xi1>, vector<16xf32>, vector<16xf32>)
    %masked_sort3A_243 = arith.constant dense<true> : vector<16xi1>
    %masked_sort3A_244, %masked_sort3A_245, %masked_sort3A_246 = tpu.sort %scan3A_233#2, %scan3A_233#2 masked %masked_sort3A_243 : (vector<16xf32>, vector<16xf32>, vector<16xi1>) -> (vector<16xi1>, vector<16xf32>, vector<16xf32>)
    %masked_sort3A_247 = arith.constant dense<true> : vector<16xi1>
    %masked_sort3A_248, %masked_sort3A_249, %masked_sort3A_250 = tpu.sort %scan3A_233#3, %scan3A_233#3 masked %masked_sort3A_247 : (vector<16xf32>, vector<16xf32>, vector<16xi1>) -> (vector<16xi1>, vector<16xf32>, vector<16xf32>)
    %masked_sort3A_251 = arith.constant dense<true> : vector<16xi1>
    %masked_sort3A_252, %masked_sort3A_253, %masked_sort3A_254 = tpu.sort %scan3A_233#4, %scan3A_233#4 masked %masked_sort3A_251 : (vector<16xf32>, vector<16xf32>, vector<16xi1>) -> (vector<16xi1>, vector<16xf32>, vector<16xf32>)
    %masked_sort3A_255 = arith.constant dense<true> : vector<16xi1>
    %masked_sort3A_256, %masked_sort3A_257, %masked_sort3A_258 = tpu.sort %scan3A_233#5, %scan3A_233#5 masked %masked_sort3A_255 : (vector<16xf32>, vector<16xf32>, vector<16xi1>) -> (vector<16xi1>, vector<16xf32>, vector<16xf32>)
    %masked_sort3A_259 = arith.constant dense<true> : vector<16xi1>
    %masked_sort3A_260, %masked_sort3A_261, %masked_sort3A_262 = tpu.sort %scan3A_233#6, %scan3A_233#6 masked %masked_sort3A_259 : (vector<16xf32>, vector<16xf32>, vector<16xi1>) -> (vector<16xi1>, vector<16xf32>, vector<16xf32>)
    %masked_sort3A_263 = arith.constant dense<true> : vector<16xi1>
    %masked_sort3A_264, %masked_sort3A_265, %masked_sort3A_266 = tpu.sort %scan3A_233#7, %scan3A_233#7 masked %masked_sort3A_263 : (vector<16xf32>, vector<16xf32>, vector<16xi1>) -> (vector<16xi1>, vector<16xf32>, vector<16xf32>)
    %rev3A_267 = arith.constant 15 : i32
    %rev3A_268 = vector.broadcast %rev3A_267 : i32 to vector<16xi32>
    %rev3A_269 = tpu.iota {dimensions = array<i32: 0>} : vector<16xi32>
    %rev3A_270 = arith.subi %rev3A_268, %rev3A_269 : vector<16xi32>
    %rev3A_271 = tpu.dynamic_gather %masked_sort3A_241[%rev3A_270] in [0] : vector<16xf32>, vector<16xi32> -> vector<16xf32>
    %min3A_272 = arith.minimumf %masked_sort3A_237, %rev3A_271 : vector<16xf32>
    %masked_sort3A_273 = arith.constant dense<true> : vector<16xi1>
    %masked_sort3A_274, %masked_sort3A_275, %masked_sort3A_276 = tpu.sort %min3A_272, %min3A_272 masked %masked_sort3A_273 : (vector<16xf32>, vector<16xf32>, vector<16xi1>) -> (vector<16xi1>, vector<16xf32>, vector<16xf32>)
    %rev3A_277 = arith.constant 15 : i32
    %rev3A_278 = vector.broadcast %rev3A_277 : i32 to vector<16xi32>
    %rev3A_279 = tpu.iota {dimensions = array<i32: 0>} : vector<16xi32>
    %rev3A_280 = arith.subi %rev3A_278, %rev3A_279 : vector<16xi32>
    %rev3A_281 = tpu.dynamic_gather %masked_sort3A_249[%rev3A_280] in [0] : vector<16xf32>, vector<16xi32> -> vector<16xf32>
    %min3A_282 = arith.minimumf %masked_sort3A_245, %rev3A_281 : vector<16xf32>
    %masked_sort3A_283 = arith.constant dense<true> : vector<16xi1>
    %masked_sort3A_284, %masked_sort3A_285, %masked_sort3A_286 = tpu.sort %min3A_282, %min3A_282 masked %masked_sort3A_283 : (vector<16xf32>, vector<16xf32>, vector<16xi1>) -> (vector<16xi1>, vector<16xf32>, vector<16xf32>)
    %rev3A_287 = arith.constant 15 : i32
    %rev3A_288 = vector.broadcast %rev3A_287 : i32 to vector<16xi32>
    %rev3A_289 = tpu.iota {dimensions = array<i32: 0>} : vector<16xi32>
    %rev3A_290 = arith.subi %rev3A_288, %rev3A_289 : vector<16xi32>
    %rev3A_291 = tpu.dynamic_gather %masked_sort3A_257[%rev3A_290] in [0] : vector<16xf32>, vector<16xi32> -> vector<16xf32>
    %min3A_292 = arith.minimumf %masked_sort3A_253, %rev3A_291 : vector<16xf32>
    %masked_sort3A_293 = arith.constant dense<true> : vector<16xi1>
    %masked_sort3A_294, %masked_sort3A_295, %masked_sort3A_296 = tpu.sort %min3A_292, %min3A_292 masked %masked_sort3A_293 : (vector<16xf32>, vector<16xf32>, vector<16xi1>) -> (vector<16xi1>, vector<16xf32>, vector<16xf32>)
    %rev3A_297 = arith.constant 15 : i32
    %rev3A_298 = vector.broadcast %rev3A_297 : i32 to vector<16xi32>
    %rev3A_299 = tpu.iota {dimensions = array<i32: 0>} : vector<16xi32>
    %rev3A_300 = arith.subi %rev3A_298, %rev3A_299 : vector<16xi32>
    %rev3A_301 = tpu.dynamic_gather %masked_sort3A_265[%rev3A_300] in [0] : vector<16xf32>, vector<16xi32> -> vector<16xf32>
    %min3A_302 = arith.minimumf %masked_sort3A_261, %rev3A_301 : vector<16xf32>
    %masked_sort3A_303 = arith.constant dense<true> : vector<16xi1>
    %masked_sort3A_304, %masked_sort3A_305, %masked_sort3A_306 = tpu.sort %min3A_302, %min3A_302 masked %masked_sort3A_303 : (vector<16xf32>, vector<16xf32>, vector<16xi1>) -> (vector<16xi1>, vector<16xf32>, vector<16xf32>)
    %rev3A_307 = arith.constant 15 : i32
    %rev3A_308 = vector.broadcast %rev3A_307 : i32 to vector<16xi32>
    %rev3A_309 = tpu.iota {dimensions = array<i32: 0>} : vector<16xi32>
    %rev3A_310 = arith.subi %rev3A_308, %rev3A_309 : vector<16xi32>
    %rev3A_311 = tpu.dynamic_gather %masked_sort3A_285[%rev3A_310] in [0] : vector<16xf32>, vector<16xi32> -> vector<16xf32>
    %min3A_312 = arith.minimumf %masked_sort3A_275, %rev3A_311 : vector<16xf32>
    %masked_sort3A_313 = arith.constant dense<true> : vector<16xi1>
    %masked_sort3A_314, %masked_sort3A_315, %masked_sort3A_316 = tpu.sort %min3A_312, %min3A_312 masked %masked_sort3A_313 : (vector<16xf32>, vector<16xf32>, vector<16xi1>) -> (vector<16xi1>, vector<16xf32>, vector<16xf32>)
    %rev3A_317 = arith.constant 15 : i32
    %rev3A_318 = vector.broadcast %rev3A_317 : i32 to vector<16xi32>
    %rev3A_319 = tpu.iota {dimensions = array<i32: 0>} : vector<16xi32>
    %rev3A_320 = arith.subi %rev3A_318, %rev3A_319 : vector<16xi32>
    %rev3A_321 = tpu.dynamic_gather %masked_sort3A_305[%rev3A_320] in [0] : vector<16xf32>, vector<16xi32> -> vector<16xf32>
    %min3A_322 = arith.minimumf %masked_sort3A_295, %rev3A_321 : vector<16xf32>
    %masked_sort3A_323 = arith.constant dense<true> : vector<16xi1>
    %masked_sort3A_324, %masked_sort3A_325, %masked_sort3A_326 = tpu.sort %min3A_322, %min3A_322 masked %masked_sort3A_323 : (vector<16xf32>, vector<16xf32>, vector<16xi1>) -> (vector<16xi1>, vector<16xf32>, vector<16xf32>)
    %rev3A_327 = arith.constant 15 : i32
    %rev3A_328 = vector.broadcast %rev3A_327 : i32 to vector<16xi32>
    %rev3A_329 = tpu.iota {dimensions = array<i32: 0>} : vector<16xi32>
    %rev3A_330 = arith.subi %rev3A_328, %rev3A_329 : vector<16xi32>
    %rev3A_331 = tpu.dynamic_gather %masked_sort3A_325[%rev3A_330] in [0] : vector<16xf32>, vector<16xi32> -> vector<16xf32>
    %min3A_332 = arith.minimumf %masked_sort3A_315, %rev3A_331 : vector<16xf32>
    %masked_sort3A_333 = arith.constant dense<true> : vector<16xi1>
    %masked_sort3A_334, %masked_sort3A_335, %masked_sort3A_336 = tpu.sort %min3A_332, %min3A_332 masked %masked_sort3A_333 : (vector<16xf32>, vector<16xf32>, vector<16xi1>) -> (vector<16xi1>, vector<16xf32>, vector<16xf32>)
    %bitcast3A_337 = vector.bitcast %masked_sort3A_335 : vector<16xf32> to vector<16xi32>
    %swap3A_338 = arith.constant 1 : i32
    %swap3A_339 = arith.index_cast %swap3A_338 : i32 to index
    %swap3A_340 = arith.constant 0 : index
    %swap3A_341 = tpu.vector_load %arg7[%swap3A_339, %swap3A_340] {strides = array<i32>} : memref<4x16xi32, #tpu.memory_space<vmem>>, vector<16xi32>,
    tpu.vector_store %arg7[%swap3A_339, %swap3A_340], %bitcast3A_337 {strides = array<i32>} : memref<4x16xi32, #tpu.memory_space<vmem>>, vector<16xi32>,
    %dma_wait3A_342 = arith.constant 2 : i32
    %dma_wait3A_343 = arith.constant 0 : i32
    %dma_wait3A_344 = tpu.memref_slice %arg6[%dma_wait3A_342, %dma_wait3A_343] : memref<4x2048xf32, #tpu.memory_space<vmem>> -> memref<1x2048xf32, #tpu.memory_space<vmem>>
    %dma_wait3A_345 = tpu.memref_squeeze %dma_wait3A_344 : memref<1x2048xf32, #tpu.memory_space<vmem>> -> memref<2048xf32, #tpu.memory_space<vmem>>
    %dma_wait3A_346 = arith.constant 0 : i32
    %dma_wait3A_347 = tpu.memref_slice %arg3[%add3A_33, %dma_wait3A_346] : memref<128x2048xf32, #tpu.memory_space<hbm>> -> memref<1x2048xf32, #tpu.memory_space<hbm>>
    %dma_wait3A_348 = tpu.memref_squeeze %dma_wait3A_347 : memref<1x2048xf32, #tpu.memory_space<hbm>> -> memref<2048xf32, #tpu.memory_space<hbm>>
    %dma_wait3A_349 = arith.constant 0 : i32
    %dma_wait3A_350 = tpu.memref_slice %arg6[%dma_wait3A_342, %dma_wait3A_349] : memref<4x2048xf32, #tpu.memory_space<vmem>> -> memref<1x2048xf32, #tpu.memory_space<vmem>>
    %dma_wait3A_351 = tpu.memref_squeeze %dma_wait3A_350 : memref<1x2048xf32, #tpu.memory_space<vmem>> -> memref<2048xf32, #tpu.memory_space<vmem>>
    %dma_wait3A_352 = arith.constant 0 : i32
    %dma_wait3A_353 = tpu.memref_slice %arg3[%add3A_33, %dma_wait3A_352] : memref<128x2048xf32, #tpu.memory_space<hbm>> -> memref<1x2048xf32, #tpu.memory_space<hbm>>
    %dma_wait3A_354 = tpu.memref_squeeze %dma_wait3A_353 : memref<1x2048xf32, #tpu.memory_space<hbm>> -> memref<2048xf32, #tpu.memory_space<hbm>>
    tpu.wait_dma2 semaphore(%arg10 : memref<!tpu.dma_semaphore, #tpu.memory_space<semaphore_mem>>) src(%dma_wait3A_354 : memref<2048xf32, #tpu.memory_space<hbm>>) dst(%dma_wait3A_351 : memref<2048xf32, #tpu.memory_space<vmem>>)
    %broadcast_in_dim3A_355 = arith.constant 0x7F800000 : f32
    %broadcast_in_dim3A_356 = vector.broadcast %broadcast_in_dim3A_355 : f32 to vector<16xf32>
    %broadcast_in_dim3A_357 = arith.constant 0x7F800000 : f32
    %broadcast_in_dim3A_358 = vector.broadcast %broadcast_in_dim3A_357 : f32 to vector<16xf32>
    %broadcast_in_dim3A_359 = arith.constant 0x7F800000 : f32
    %broadcast_in_dim3A_360 = vector.broadcast %broadcast_in_dim3A_359 : f32 to vector<16xf32>
    %broadcast_in_dim3A_361 = arith.constant 0x7F800000 : f32
    %broadcast_in_dim3A_362 = vector.broadcast %broadcast_in_dim3A_361 : f32 to vector<16xf32>
    %broadcast_in_dim3A_363 = arith.constant 0x7F800000 : f32
    %broadcast_in_dim3A_364 = vector.broadcast %broadcast_in_dim3A_363 : f32 to vector<16xf32>
    %broadcast_in_dim3A_365 = arith.constant 0x7F800000 : f32
    %broadcast_in_dim3A_366 = vector.broadcast %broadcast_in_dim3A_365 : f32 to vector<16xf32>
    %broadcast_in_dim3A_367 = arith.constant 0x7F800000 : f32
    %broadcast_in_dim3A_368 = vector.broadcast %broadcast_in_dim3A_367 : f32 to vector<16xf32>
    %broadcast_in_dim3A_369 = arith.constant 0x7F800000 : f32
    %broadcast_in_dim3A_370 = vector.broadcast %broadcast_in_dim3A_369 : f32 to vector<16xf32>
    %scan3A_371 = arith.constant 0 : i32
    %scan3A_372 = arith.constant 128 : i32
    %scan3A_373 = arith.addi %scan3A_371, %scan3A_372 : i32
    %scan3A_374 = arith.constant 1 : i32
    %scan3A_375:8 = scf.for %scan3A_683 = %scan3A_371 to %scan3A_373 step %scan3A_374 iter_args(%scan3A_684 = %broadcast_in_dim3A_356, %scan3A_685 = %broadcast_in_dim3A_358, %scan3A_686 = %broadcast_in_dim3A_360, %scan3A_687 = %broadcast_in_dim3A_362, %scan3A_688 = %broadcast_in_dim3A_364, %scan3A_689 = %broadcast_in_dim3A_366, %scan3A_690 = %broadcast_in_dim3A_368, %scan3A_691 = %broadcast_in_dim3A_370) -> (vector<16xf32>, vector<16xf32>, vector<16xf32>, vector<16xf32>, vector<16xf32>, vector<16xf32>, vector<16xf32>, vector<16xf32>)  : i32 {
      %mul3A_692 = arith.constant 16 : i32
      %mul3A_693 = arith.muli %scan3A_683, %mul3A_692 : i32
      %get3A_694 = arith.constant 2 : i32
      %get3A_695 = arith.index_cast %get3A_694 : i32 to index
      %get3A_696 = arith.index_cast %mul3A_693 : i32 to index
      %get3A_697 = tpu.vector_load %arg6[%get3A_695, %get3A_696] {strides = array<i32>} : memref<4x2048xf32, #tpu.memory_space<vmem>>, vector<16xf32>,
      %bitcast3A_698 = vector.bitcast %get3A_697 : vector<16xf32> to vector<16xi32>
      %and3A_699 = arith.constant -2048 : i32
      %and3A_700 = vector.broadcast %and3A_699 : i32 to vector<16xi32>
      %and3A_701 = arith.andi %bitcast3A_698, %and3A_700 : vector<16xi32>
      %shift_left3A = arith.constant 4 : i32
      %shift_left3A_702 = arith.shli %scan3A_683, %shift_left3A : i32
      %add3A_703 = vector.broadcast %shift_left3A_702 : i32 to vector<16xi32>
      %add3A_704 = arith.addi %iota3A, %add3A_703 : vector<16xi32>
      %or3A = arith.ori %and3A_701, %add3A_704 : vector<16xi32>
      %bitcast3A_705 = vector.bitcast %or3A : vector<16xi32> to vector<16xf32>
      %min3A_706 = arith.minimumf %scan3A_684, %bitcast3A_705 : vector<16xf32>
      %max3A = arith.maximumf %scan3A_684, %bitcast3A_705 : vector<16xf32>
      %min3A_707 = arith.minimumf %scan3A_685, %max3A : vector<16xf32>
      %max3A_708 = arith.maximumf %scan3A_685, %max3A : vector<16xf32>
      %min3A_709 = arith.minimumf %scan3A_686, %max3A_708 : vector<16xf32>
      %max3A_710 = arith.maximumf %scan3A_686, %max3A_708 : vector<16xf32>
      %min3A_711 = arith.minimumf %scan3A_687, %max3A_710 : vector<16xf32>
      %max3A_712 = arith.maximumf %scan3A_687, %max3A_710 : vector<16xf32>
      %min3A_713 = arith.minimumf %scan3A_688, %max3A_712 : vector<16xf32>
      %max3A_714 = arith.maximumf %scan3A_688, %max3A_712 : vector<16xf32>
      %min3A_715 = arith.minimumf %scan3A_689, %max3A_714 : vector<16xf32>
      %max3A_716 = arith.maximumf %scan3A_689, %max3A_714 : vector<16xf32>
      %min3A_717 = arith.minimumf %scan3A_690, %max3A_716 : vector<16xf32>
      %max3A_718 = arith.maximumf %scan3A_690, %max3A_716 : vector<16xf32>
      %min3A_719 = arith.minimumf %scan3A_691, %max3A_718 : vector<16xf32>
      %max3A_720 = arith.maximumf %scan3A_691, %max3A_718 : vector<16xf32>
      scf.yield %min3A_706, %min3A_707, %min3A_709, %min3A_711, %min3A_713, %min3A_715, %min3A_717, %min3A_719 : vector<16xf32>, vector<16xf32>, vector<16xf32>, vector<16xf32>, vector<16xf32>, vector<16xf32>, vector<16xf32>, vector<16xf32>
    }
    %scan3A_376 = arith.constant 128 : i32
    %masked_sort3A_377 = arith.constant dense<true> : vector<16xi1>
    %masked_sort3A_378, %masked_sort3A_379, %masked_sort3A_380 = tpu.sort %scan3A_375#0, %scan3A_375#0 masked %masked_sort3A_377 : (vector<16xf32>, vector<16xf32>, vector<16xi1>) -> (vector<16xi1>, vector<16xf32>, vector<16xf32>)
    %masked_sort3A_381 = arith.constant dense<true> : vector<16xi1>
    %masked_sort3A_382, %masked_sort3A_383, %masked_sort3A_384 = tpu.sort %scan3A_375#1, %scan3A_375#1 masked %masked_sort3A_381 : (vector<16xf32>, vector<16xf32>, vector<16xi1>) -> (vector<16xi1>, vector<16xf32>, vector<16xf32>)
    %masked_sort3A_385 = arith.constant dense<true> : vector<16xi1>
    %masked_sort3A_386, %masked_sort3A_387, %masked_sort3A_388 = tpu.sort %scan3A_375#2, %scan3A_375#2 masked %masked_sort3A_385 : (vector<16xf32>, vector<16xf32>, vector<16xi1>) -> (vector<16xi1>, vector<16xf32>, vector<16xf32>)
    %masked_sort3A_389 = arith.constant dense<true> : vector<16xi1>
    %masked_sort3A_390, %masked_sort3A_391, %masked_sort3A_392 = tpu.sort %scan3A_375#3, %scan3A_375#3 masked %masked_sort3A_389 : (vector<16xf32>, vector<16xf32>, vector<16xi1>) -> (vector<16xi1>, vector<16xf32>, vector<16xf32>)
    %masked_sort3A_393 = arith.constant dense<true> : vector<16xi1>
    %masked_sort3A_394, %masked_sort3A_395, %masked_sort3A_396 = tpu.sort %scan3A_375#4, %scan3A_375#4 masked %masked_sort3A_393 : (vector<16xf32>, vector<16xf32>, vector<16xi1>) -> (vector<16xi1>, vector<16xf32>, vector<16xf32>)
    %masked_sort3A_397 = arith.constant dense<true> : vector<16xi1>
    %masked_sort3A_398, %masked_sort3A_399, %masked_sort3A_400 = tpu.sort %scan3A_375#5, %scan3A_375#5 masked %masked_sort3A_397 : (vector<16xf32>, vector<16xf32>, vector<16xi1>) -> (vector<16xi1>, vector<16xf32>, vector<16xf32>)
    %masked_sort3A_401 = arith.constant dense<true> : vector<16xi1>
    %masked_sort3A_402, %masked_sort3A_403, %masked_sort3A_404 = tpu.sort %scan3A_375#6, %scan3A_375#6 masked %masked_sort3A_401 : (vector<16xf32>, vector<16xf32>, vector<16xi1>) -> (vector<16xi1>, vector<16xf32>, vector<16xf32>)
    %masked_sort3A_405 = arith.constant dense<true> : vector<16xi1>
    %masked_sort3A_406, %masked_sort3A_407, %masked_sort3A_408 = tpu.sort %scan3A_375#7, %scan3A_375#7 masked %masked_sort3A_405 : (vector<16xf32>, vector<16xf32>, vector<16xi1>) -> (vector<16xi1>, vector<16xf32>, vector<16xf32>)
    %rev3A_409 = arith.constant 15 : i32
    %rev3A_410 = vector.broadcast %rev3A_409 : i32 to vector<16xi32>
    %rev3A_411 = tpu.iota {dimensions = array<i32: 0>} : vector<16xi32>
    %rev3A_412 = arith.subi %rev3A_410, %rev3A_411 : vector<16xi32>
    %rev3A_413 = tpu.dynamic_gather %masked_sort3A_383[%rev3A_412] in [0] : vector<16xf32>, vector<16xi32> -> vector<16xf32>
    %min3A_414 = arith.minimumf %masked_sort3A_379, %rev3A_413 : vector<16xf32>
    %masked_sort3A_415 = arith.constant dense<true> : vector<16xi1>
    %masked_sort3A_416, %masked_sort3A_417, %masked_sort3A_418 = tpu.sort %min3A_414, %min3A_414 masked %masked_sort3A_415 : (vector<16xf32>, vector<16xf32>, vector<16xi1>) -> (vector<16xi1>, vector<16xf32>, vector<16xf32>)
    %rev3A_419 = arith.constant 15 : i32
    %rev3A_420 = vector.broadcast %rev3A_419 : i32 to vector<16xi32>
    %rev3A_421 = tpu.iota {dimensions = array<i32: 0>} : vector<16xi32>
    %rev3A_422 = arith.subi %rev3A_420, %rev3A_421 : vector<16xi32>
    %rev3A_423 = tpu.dynamic_gather %masked_sort3A_391[%rev3A_422] in [0] : vector<16xf32>, vector<16xi32> -> vector<16xf32>
    %min3A_424 = arith.minimumf %masked_sort3A_387, %rev3A_423 : vector<16xf32>
    %masked_sort3A_425 = arith.constant dense<true> : vector<16xi1>
    %masked_sort3A_426, %masked_sort3A_427, %masked_sort3A_428 = tpu.sort %min3A_424, %min3A_424 masked %masked_sort3A_425 : (vector<16xf32>, vector<16xf32>, vector<16xi1>) -> (vector<16xi1>, vector<16xf32>, vector<16xf32>)
    %rev3A_429 = arith.constant 15 : i32
    %rev3A_430 = vector.broadcast %rev3A_429 : i32 to vector<16xi32>
    %rev3A_431 = tpu.iota {dimensions = array<i32: 0>} : vector<16xi32>
    %rev3A_432 = arith.subi %rev3A_430, %rev3A_431 : vector<16xi32>
    %rev3A_433 = tpu.dynamic_gather %masked_sort3A_399[%rev3A_432] in [0] : vector<16xf32>, vector<16xi32> -> vector<16xf32>
    %min3A_434 = arith.minimumf %masked_sort3A_395, %rev3A_433 : vector<16xf32>
    %masked_sort3A_435 = arith.constant dense<true> : vector<16xi1>
    %masked_sort3A_436, %masked_sort3A_437, %masked_sort3A_438 = tpu.sort %min3A_434, %min3A_434 masked %masked_sort3A_435 : (vector<16xf32>, vector<16xf32>, vector<16xi1>) -> (vector<16xi1>, vector<16xf32>, vector<16xf32>)
    %rev3A_439 = arith.constant 15 : i32
    %rev3A_440 = vector.broadcast %rev3A_439 : i32 to vector<16xi32>
    %rev3A_441 = tpu.iota {dimensions = array<i32: 0>} : vector<16xi32>
    %rev3A_442 = arith.subi %rev3A_440, %rev3A_441 : vector<16xi32>
    %rev3A_443 = tpu.dynamic_gather %masked_sort3A_407[%rev3A_442] in [0] : vector<16xf32>, vector<16xi32> -> vector<16xf32>
    %min3A_444 = arith.minimumf %masked_sort3A_403, %rev3A_443 : vector<16xf32>
    %masked_sort3A_445 = arith.constant dense<true> : vector<16xi1>
    %masked_sort3A_446, %masked_sort3A_447, %masked_sort3A_448 = tpu.sort %min3A_444, %min3A_444 masked %masked_sort3A_445 : (vector<16xf32>, vector<16xf32>, vector<16xi1>) -> (vector<16xi1>, vector<16xf32>, vector<16xf32>)
    %rev3A_449 = arith.constant 15 : i32
    %rev3A_450 = vector.broadcast %rev3A_449 : i32 to vector<16xi32>
    %rev3A_451 = tpu.iota {dimensions = array<i32: 0>} : vector<16xi32>
    %rev3A_452 = arith.subi %rev3A_450, %rev3A_451 : vector<16xi32>
    %rev3A_453 = tpu.dynamic_gather %masked_sort3A_427[%rev3A_452] in [0] : vector<16xf32>, vector<16xi32> -> vector<16xf32>
    %min3A_454 = arith.minimumf %masked_sort3A_417, %rev3A_453 : vector<16xf32>
    %masked_sort3A_455 = arith.constant dense<true> : vector<16xi1>
    %masked_sort3A_456, %masked_sort3A_457, %masked_sort3A_458 = tpu.sort %min3A_454, %min3A_454 masked %masked_sort3A_455 : (vector<16xf32>, vector<16xf32>, vector<16xi1>) -> (vector<16xi1>, vector<16xf32>, vector<16xf32>)
    %rev3A_459 = arith.constant 15 : i32
    %rev3A_460 = vector.broadcast %rev3A_459 : i32 to vector<16xi32>
    %rev3A_461 = tpu.iota {dimensions = array<i32: 0>} : vector<16xi32>
    %rev3A_462 = arith.subi %rev3A_460, %rev3A_461 : vector<16xi32>
    %rev3A_463 = tpu.dynamic_gather %masked_sort3A_447[%rev3A_462] in [0] : vector<16xf32>, vector<16xi32> -> vector<16xf32>
    %min3A_464 = arith.minimumf %masked_sort3A_437, %rev3A_463 : vector<16xf32>
    %masked_sort3A_465 = arith.constant dense<true> : vector<16xi1>
    %masked_sort3A_466, %masked_sort3A_467, %masked_sort3A_468 = tpu.sort %min3A_464, %min3A_464 masked %masked_sort3A_465 : (vector<16xf32>, vector<16xf32>, vector<16xi1>) -> (vector<16xi1>, vector<16xf32>, vector<16xf32>)
    %rev3A_469 = arith.constant 15 : i32
    %rev3A_470 = vector.broadcast %rev3A_469 : i32 to vector<16xi32>
    %rev3A_471 = tpu.iota {dimensions = array<i32: 0>} : vector<16xi32>
    %rev3A_472 = arith.subi %rev3A_470, %rev3A_471 : vector<16xi32>
    %rev3A_473 = tpu.dynamic_gather %masked_sort3A_467[%rev3A_472] in [0] : vector<16xf32>, vector<16xi32> -> vector<16xf32>
    %min3A_474 = arith.minimumf %masked_sort3A_457, %rev3A_473 : vector<16xf32>
    %masked_sort3A_475 = arith.constant dense<true> : vector<16xi1>
    %masked_sort3A_476, %masked_sort3A_477, %masked_sort3A_478 = tpu.sort %min3A_474, %min3A_474 masked %masked_sort3A_475 : (vector<16xf32>, vector<16xf32>, vector<16xi1>) -> (vector<16xi1>, vector<16xf32>, vector<16xf32>)
    %bitcast3A_479 = vector.bitcast %masked_sort3A_477 : vector<16xf32> to vector<16xi32>
    %swap3A_480 = arith.constant 2 : i32
    %swap3A_481 = arith.index_cast %swap3A_480 : i32 to index
    %swap3A_482 = arith.constant 0 : index
    %swap3A_483 = tpu.vector_load %arg7[%swap3A_481, %swap3A_482] {strides = array<i32>} : memref<4x16xi32, #tpu.memory_space<vmem>>, vector<16xi32>,
    tpu.vector_store %arg7[%swap3A_481, %swap3A_482], %bitcast3A_479 {strides = array<i32>} : memref<4x16xi32, #tpu.memory_space<vmem>>, vector<16xi32>,
    %dma_wait3A_484 = arith.constant 3 : i32
    %dma_wait3A_485 = arith.constant 0 : i32
    %dma_wait3A_486 = tpu.memref_slice %arg6[%dma_wait3A_484, %dma_wait3A_485] : memref<4x2048xf32, #tpu.memory_space<vmem>> -> memref<1x2048xf32, #tpu.memory_space<vmem>>
    %dma_wait3A_487 = tpu.memref_squeeze %dma_wait3A_486 : memref<1x2048xf32, #tpu.memory_space<vmem>> -> memref<2048xf32, #tpu.memory_space<vmem>>
    %dma_wait3A_488 = arith.constant 0 : i32
    %dma_wait3A_489 = tpu.memref_slice %arg3[%add3A_48, %dma_wait3A_488] : memref<128x2048xf32, #tpu.memory_space<hbm>> -> memref<1x2048xf32, #tpu.memory_space<hbm>>
    %dma_wait3A_490 = tpu.memref_squeeze %dma_wait3A_489 : memref<1x2048xf32, #tpu.memory_space<hbm>> -> memref<2048xf32, #tpu.memory_space<hbm>>
    %dma_wait3A_491 = arith.constant 0 : i32
    %dma_wait3A_492 = tpu.memref_slice %arg6[%dma_wait3A_484, %dma_wait3A_491] : memref<4x2048xf32, #tpu.memory_space<vmem>> -> memref<1x2048xf32, #tpu.memory_space<vmem>>
    %dma_wait3A_493 = tpu.memref_squeeze %dma_wait3A_492 : memref<1x2048xf32, #tpu.memory_space<vmem>> -> memref<2048xf32, #tpu.memory_space<vmem>>
    %dma_wait3A_494 = arith.constant 0 : i32
    %dma_wait3A_495 = tpu.memref_slice %arg3[%add3A_48, %dma_wait3A_494] : memref<128x2048xf32, #tpu.memory_space<hbm>> -> memref<1x2048xf32, #tpu.memory_space<hbm>>
    %dma_wait3A_496 = tpu.memref_squeeze %dma_wait3A_495 : memref<1x2048xf32, #tpu.memory_space<hbm>> -> memref<2048xf32, #tpu.memory_space<hbm>>
    tpu.wait_dma2 semaphore(%arg10 : memref<!tpu.dma_semaphore, #tpu.memory_space<semaphore_mem>>) src(%dma_wait3A_496 : memref<2048xf32, #tpu.memory_space<hbm>>) dst(%dma_wait3A_493 : memref<2048xf32, #tpu.memory_space<vmem>>)
    %broadcast_in_dim3A_497 = arith.constant 0x7F800000 : f32
    %broadcast_in_dim3A_498 = vector.broadcast %broadcast_in_dim3A_497 : f32 to vector<16xf32>
    %broadcast_in_dim3A_499 = arith.constant 0x7F800000 : f32
    %broadcast_in_dim3A_500 = vector.broadcast %broadcast_in_dim3A_499 : f32 to vector<16xf32>
    %broadcast_in_dim3A_501 = arith.constant 0x7F800000 : f32
    %broadcast_in_dim3A_502 = vector.broadcast %broadcast_in_dim3A_501 : f32 to vector<16xf32>
    %broadcast_in_dim3A_503 = arith.constant 0x7F800000 : f32
    %broadcast_in_dim3A_504 = vector.broadcast %broadcast_in_dim3A_503 : f32 to vector<16xf32>
    %broadcast_in_dim3A_505 = arith.constant 0x7F800000 : f32
    %broadcast_in_dim3A_506 = vector.broadcast %broadcast_in_dim3A_505 : f32 to vector<16xf32>
    %broadcast_in_dim3A_507 = arith.constant 0x7F800000 : f32
    %broadcast_in_dim3A_508 = vector.broadcast %broadcast_in_dim3A_507 : f32 to vector<16xf32>
    %broadcast_in_dim3A_509 = arith.constant 0x7F800000 : f32
    %broadcast_in_dim3A_510 = vector.broadcast %broadcast_in_dim3A_509 : f32 to vector<16xf32>
    %broadcast_in_dim3A_511 = arith.constant 0x7F800000 : f32
    %broadcast_in_dim3A_512 = vector.broadcast %broadcast_in_dim3A_511 : f32 to vector<16xf32>
    %scan3A_513 = arith.constant 0 : i32
    %scan3A_514 = arith.constant 128 : i32
    %scan3A_515 = arith.addi %scan3A_513, %scan3A_514 : i32
    %scan3A_516 = arith.constant 1 : i32
    %scan3A_517:8 = scf.for %scan3A_683 = %scan3A_513 to %scan3A_515 step %scan3A_516 iter_args(%scan3A_684 = %broadcast_in_dim3A_498, %scan3A_685 = %broadcast_in_dim3A_500, %scan3A_686 = %broadcast_in_dim3A_502, %scan3A_687 = %broadcast_in_dim3A_504, %scan3A_688 = %broadcast_in_dim3A_506, %scan3A_689 = %broadcast_in_dim3A_508, %scan3A_690 = %broadcast_in_dim3A_510, %scan3A_691 = %broadcast_in_dim3A_512) -> (vector<16xf32>, vector<16xf32>, vector<16xf32>, vector<16xf32>, vector<16xf32>, vector<16xf32>, vector<16xf32>, vector<16xf32>)  : i32 {
      %mul3A_692 = arith.constant 16 : i32
      %mul3A_693 = arith.muli %scan3A_683, %mul3A_692 : i32
      %get3A_694 = arith.constant 3 : i32
      %get3A_695 = arith.index_cast %get3A_694 : i32 to index
      %get3A_696 = arith.index_cast %mul3A_693 : i32 to index
      %get3A_697 = tpu.vector_load %arg6[%get3A_695, %get3A_696] {strides = array<i32>} : memref<4x2048xf32, #tpu.memory_space<vmem>>, vector<16xf32>,
      %bitcast3A_698 = vector.bitcast %get3A_697 : vector<16xf32> to vector<16xi32>
      %and3A_699 = arith.constant -2048 : i32
      %and3A_700 = vector.broadcast %and3A_699 : i32 to vector<16xi32>
      %and3A_701 = arith.andi %bitcast3A_698, %and3A_700 : vector<16xi32>
      %shift_left3A = arith.constant 4 : i32
      %shift_left3A_702 = arith.shli %scan3A_683, %shift_left3A : i32
      %add3A_703 = vector.broadcast %shift_left3A_702 : i32 to vector<16xi32>
      %add3A_704 = arith.addi %iota3A, %add3A_703 : vector<16xi32>
      %or3A = arith.ori %and3A_701, %add3A_704 : vector<16xi32>
      %bitcast3A_705 = vector.bitcast %or3A : vector<16xi32> to vector<16xf32>
      %min3A_706 = arith.minimumf %scan3A_684, %bitcast3A_705 : vector<16xf32>
      %max3A = arith.maximumf %scan3A_684, %bitcast3A_705 : vector<16xf32>
      %min3A_707 = arith.minimumf %scan3A_685, %max3A : vector<16xf32>
      %max3A_708 = arith.maximumf %scan3A_685, %max3A : vector<16xf32>
      %min3A_709 = arith.minimumf %scan3A_686, %max3A_708 : vector<16xf32>
      %max3A_710 = arith.maximumf %scan3A_686, %max3A_708 : vector<16xf32>
      %min3A_711 = arith.minimumf %scan3A_687, %max3A_710 : vector<16xf32>
      %max3A_712 = arith.maximumf %scan3A_687, %max3A_710 : vector<16xf32>
      %min3A_713 = arith.minimumf %scan3A_688, %max3A_712 : vector<16xf32>
      %max3A_714 = arith.maximumf %scan3A_688, %max3A_712 : vector<16xf32>
      %min3A_715 = arith.minimumf %scan3A_689, %max3A_714 : vector<16xf32>
      %max3A_716 = arith.maximumf %scan3A_689, %max3A_714 : vector<16xf32>
      %min3A_717 = arith.minimumf %scan3A_690, %max3A_716 : vector<16xf32>
      %max3A_718 = arith.maximumf %scan3A_690, %max3A_716 : vector<16xf32>
      %min3A_719 = arith.minimumf %scan3A_691, %max3A_718 : vector<16xf32>
      %max3A_720 = arith.maximumf %scan3A_691, %max3A_718 : vector<16xf32>
      scf.yield %min3A_706, %min3A_707, %min3A_709, %min3A_711, %min3A_713, %min3A_715, %min3A_717, %min3A_719 : vector<16xf32>, vector<16xf32>, vector<16xf32>, vector<16xf32>, vector<16xf32>, vector<16xf32>, vector<16xf32>, vector<16xf32>
    }
    %scan3A_518 = arith.constant 128 : i32
    %masked_sort3A_519 = arith.constant dense<true> : vector<16xi1>
    %masked_sort3A_520, %masked_sort3A_521, %masked_sort3A_522 = tpu.sort %scan3A_517#0, %scan3A_517#0 masked %masked_sort3A_519 : (vector<16xf32>, vector<16xf32>, vector<16xi1>) -> (vector<16xi1>, vector<16xf32>, vector<16xf32>)
    %masked_sort3A_523 = arith.constant dense<true> : vector<16xi1>
    %masked_sort3A_524, %masked_sort3A_525, %masked_sort3A_526 = tpu.sort %scan3A_517#1, %scan3A_517#1 masked %masked_sort3A_523 : (vector<16xf32>, vector<16xf32>, vector<16xi1>) -> (vector<16xi1>, vector<16xf32>, vector<16xf32>)
    %masked_sort3A_527 = arith.constant dense<true> : vector<16xi1>
    %masked_sort3A_528, %masked_sort3A_529, %masked_sort3A_530 = tpu.sort %scan3A_517#2, %scan3A_517#2 masked %masked_sort3A_527 : (vector<16xf32>, vector<16xf32>, vector<16xi1>) -> (vector<16xi1>, vector<16xf32>, vector<16xf32>)
    %masked_sort3A_531 = arith.constant dense<true> : vector<16xi1>
    %masked_sort3A_532, %masked_sort3A_533, %masked_sort3A_534 = tpu.sort %scan3A_517#3, %scan3A_517#3 masked %masked_sort3A_531 : (vector<16xf32>, vector<16xf32>, vector<16xi1>) -> (vector<16xi1>, vector<16xf32>, vector<16xf32>)
    %masked_sort3A_535 = arith.constant dense<true> : vector<16xi1>
    %masked_sort3A_536, %masked_sort3A_537, %masked_sort3A_538 = tpu.sort %scan3A_517#4, %scan3A_517#4 masked %masked_sort3A_535 : (vector<16xf32>, vector<16xf32>, vector<16xi1>) -> (vector<16xi1>, vector<16xf32>, vector<16xf32>)
    %masked_sort3A_539 = arith.constant dense<true> : vector<16xi1>
    %masked_sort3A_540, %masked_sort3A_541, %masked_sort3A_542 = tpu.sort %scan3A_517#5, %scan3A_517#5 masked %masked_sort3A_539 : (vector<16xf32>, vector<16xf32>, vector<16xi1>) -> (vector<16xi1>, vector<16xf32>, vector<16xf32>)
    %masked_sort3A_543 = arith.constant dense<true> : vector<16xi1>
    %masked_sort3A_544, %masked_sort3A_545, %masked_sort3A_546 = tpu.sort %scan3A_517#6, %scan3A_517#6 masked %masked_sort3A_543 : (vector<16xf32>, vector<16xf32>, vector<16xi1>) -> (vector<16xi1>, vector<16xf32>, vector<16xf32>)
    %masked_sort3A_547 = arith.constant dense<true> : vector<16xi1>
    %masked_sort3A_548, %masked_sort3A_549, %masked_sort3A_550 = tpu.sort %scan3A_517#7, %scan3A_517#7 masked %masked_sort3A_547 : (vector<16xf32>, vector<16xf32>, vector<16xi1>) -> (vector<16xi1>, vector<16xf32>, vector<16xf32>)
    %rev3A_551 = arith.constant 15 : i32
    %rev3A_552 = vector.broadcast %rev3A_551 : i32 to vector<16xi32>
    %rev3A_553 = tpu.iota {dimensions = array<i32: 0>} : vector<16xi32>
    %rev3A_554 = arith.subi %rev3A_552, %rev3A_553 : vector<16xi32>
    %rev3A_555 = tpu.dynamic_gather %masked_sort3A_525[%rev3A_554] in [0] : vector<16xf32>, vector<16xi32> -> vector<16xf32>
    %min3A_556 = arith.minimumf %masked_sort3A_521, %rev3A_555 : vector<16xf32>
    %masked_sort3A_557 = arith.constant dense<true> : vector<16xi1>
    %masked_sort3A_558, %masked_sort3A_559, %masked_sort3A_560 = tpu.sort %min3A_556, %min3A_556 masked %masked_sort3A_557 : (vector<16xf32>, vector<16xf32>, vector<16xi1>) -> (vector<16xi1>, vector<16xf32>, vector<16xf32>)
    %rev3A_561 = arith.constant 15 : i32
    %rev3A_562 = vector.broadcast %rev3A_561 : i32 to vector<16xi32>
    %rev3A_563 = tpu.iota {dimensions = array<i32: 0>} : vector<16xi32>
    %rev3A_564 = arith.subi %rev3A_562, %rev3A_563 : vector<16xi32>
    %rev3A_565 = tpu.dynamic_gather %masked_sort3A_533[%rev3A_564] in [0] : vector<16xf32>, vector<16xi32> -> vector<16xf32>
    %min3A_566 = arith.minimumf %masked_sort3A_529, %rev3A_565 : vector<16xf32>
    %masked_sort3A_567 = arith.constant dense<true> : vector<16xi1>
    %masked_sort3A_568, %masked_sort3A_569, %masked_sort3A_570 = tpu.sort %min3A_566, %min3A_566 masked %masked_sort3A_567 : (vector<16xf32>, vector<16xf32>, vector<16xi1>) -> (vector<16xi1>, vector<16xf32>, vector<16xf32>)
    %rev3A_571 = arith.constant 15 : i32
    %rev3A_572 = vector.broadcast %rev3A_571 : i32 to vector<16xi32>
    %rev3A_573 = tpu.iota {dimensions = array<i32: 0>} : vector<16xi32>
    %rev3A_574 = arith.subi %rev3A_572, %rev3A_573 : vector<16xi32>
    %rev3A_575 = tpu.dynamic_gather %masked_sort3A_541[%rev3A_574] in [0] : vector<16xf32>, vector<16xi32> -> vector<16xf32>
    %min3A_576 = arith.minimumf %masked_sort3A_537, %rev3A_575 : vector<16xf32>
    %masked_sort3A_577 = arith.constant dense<true> : vector<16xi1>
    %masked_sort3A_578, %masked_sort3A_579, %masked_sort3A_580 = tpu.sort %min3A_576, %min3A_576 masked %masked_sort3A_577 : (vector<16xf32>, vector<16xf32>, vector<16xi1>) -> (vector<16xi1>, vector<16xf32>, vector<16xf32>)
    %rev3A_581 = arith.constant 15 : i32
    %rev3A_582 = vector.broadcast %rev3A_581 : i32 to vector<16xi32>
    %rev3A_583 = tpu.iota {dimensions = array<i32: 0>} : vector<16xi32>
    %rev3A_584 = arith.subi %rev3A_582, %rev3A_583 : vector<16xi32>
    %rev3A_585 = tpu.dynamic_gather %masked_sort3A_549[%rev3A_584] in [0] : vector<16xf32>, vector<16xi32> -> vector<16xf32>
    %min3A_586 = arith.minimumf %masked_sort3A_545, %rev3A_585 : vector<16xf32>
    %masked_sort3A_587 = arith.constant dense<true> : vector<16xi1>
    %masked_sort3A_588, %masked_sort3A_589, %masked_sort3A_590 = tpu.sort %min3A_586, %min3A_586 masked %masked_sort3A_587 : (vector<16xf32>, vector<16xf32>, vector<16xi1>) -> (vector<16xi1>, vector<16xf32>, vector<16xf32>)
    %rev3A_591 = arith.constant 15 : i32
    %rev3A_592 = vector.broadcast %rev3A_591 : i32 to vector<16xi32>
    %rev3A_593 = tpu.iota {dimensions = array<i32: 0>} : vector<16xi32>
    %rev3A_594 = arith.subi %rev3A_592, %rev3A_593 : vector<16xi32>
    %rev3A_595 = tpu.dynamic_gather %masked_sort3A_569[%rev3A_594] in [0] : vector<16xf32>, vector<16xi32> -> vector<16xf32>
    %min3A_596 = arith.minimumf %masked_sort3A_559, %rev3A_595 : vector<16xf32>
    %masked_sort3A_597 = arith.constant dense<true> : vector<16xi1>
    %masked_sort3A_598, %masked_sort3A_599, %masked_sort3A_600 = tpu.sort %min3A_596, %min3A_596 masked %masked_sort3A_597 : (vector<16xf32>, vector<16xf32>, vector<16xi1>) -> (vector<16xi1>, vector<16xf32>, vector<16xf32>)
    %rev3A_601 = arith.constant 15 : i32
    %rev3A_602 = vector.broadcast %rev3A_601 : i32 to vector<16xi32>
    %rev3A_603 = tpu.iota {dimensions = array<i32: 0>} : vector<16xi32>
    %rev3A_604 = arith.subi %rev3A_602, %rev3A_603 : vector<16xi32>
    %rev3A_605 = tpu.dynamic_gather %masked_sort3A_589[%rev3A_604] in [0] : vector<16xf32>, vector<16xi32> -> vector<16xf32>
    %min3A_606 = arith.minimumf %masked_sort3A_579, %rev3A_605 : vector<16xf32>
    %masked_sort3A_607 = arith.constant dense<true> : vector<16xi1>
    %masked_sort3A_608, %masked_sort3A_609, %masked_sort3A_610 = tpu.sort %min3A_606, %min3A_606 masked %masked_sort3A_607 : (vector<16xf32>, vector<16xf32>, vector<16xi1>) -> (vector<16xi1>, vector<16xf32>, vector<16xf32>)
    %rev3A_611 = arith.constant 15 : i32
    %rev3A_612 = vector.broadcast %rev3A_611 : i32 to vector<16xi32>
    %rev3A_613 = tpu.iota {dimensions = array<i32: 0>} : vector<16xi32>
    %rev3A_614 = arith.subi %rev3A_612, %rev3A_613 : vector<16xi32>
    %rev3A_615 = tpu.dynamic_gather %masked_sort3A_609[%rev3A_614] in [0] : vector<16xf32>, vector<16xi32> -> vector<16xf32>
    %min3A_616 = arith.minimumf %masked_sort3A_599, %rev3A_615 : vector<16xf32>
    %masked_sort3A_617 = arith.constant dense<true> : vector<16xi1>
    %masked_sort3A_618, %masked_sort3A_619, %masked_sort3A_620 = tpu.sort %min3A_616, %min3A_616 masked %masked_sort3A_617 : (vector<16xf32>, vector<16xf32>, vector<16xi1>) -> (vector<16xi1>, vector<16xf32>, vector<16xf32>)
    %bitcast3A_621 = vector.bitcast %masked_sort3A_619 : vector<16xf32> to vector<16xi32>
    %swap3A_622 = arith.constant 3 : i32
    %swap3A_623 = arith.index_cast %swap3A_622 : i32 to index
    %swap3A_624 = arith.constant 0 : index
    %swap3A_625 = tpu.vector_load %arg7[%swap3A_623, %swap3A_624] {strides = array<i32>} : memref<4x16xi32, #tpu.memory_space<vmem>>, vector<16xi32>,
    tpu.vector_store %arg7[%swap3A_623, %swap3A_624], %bitcast3A_621 {strides = array<i32>} : memref<4x16xi32, #tpu.memory_space<vmem>>, vector<16xi32>,
    %dma_wait3A_626 = arith.constant 0 : i32
    %dma_wait3A_627 = tpu.memref_slice %arg2[%mul3A_2, %dma_wait3A_626] : memref<128x2048xf32, #tpu.memory_space<hbm>> -> memref<4x2048xf32, #tpu.memory_space<hbm>>
    %dma_wait3A_628 = arith.constant 0 : i32
    %dma_wait3A_629 = tpu.memref_slice %arg2[%mul3A_2, %dma_wait3A_628] : memref<128x2048xf32, #tpu.memory_space<hbm>> -> memref<4x2048xf32, #tpu.memory_space<hbm>>
    tpu.wait_dma2 semaphore(%arg9 : memref<!tpu.dma_semaphore, #tpu.memory_space<semaphore_mem>>) src(%dma_wait3A_629 : memref<4x2048xf32, #tpu.memory_space<hbm>>) dst(%arg5 : memref<4x2048xf32, #tpu.memory_space<vmem>>)
    %get3A = arith.constant 0 : i32
    %get3A_630 = arith.index_cast %get3A : i32 to index
    %get3A_631 = arith.constant 0 : index
    %get3A_632 = tpu.vector_load %arg7[%get3A_630, %get3A_631] {strides = array<i32>} : memref<4x16xi32, #tpu.memory_space<vmem>>, vector<16xi32>,
    %and3A = arith.constant 2047 : i32
    %and3A_633 = vector.broadcast %and3A : i32 to vector<16xi32>
    %and3A_634 = arith.andi %get3A_632, %and3A_633 : vector<16xi32>
    %broadcast_in_dim3A_635 = arith.constant 0 : i32
    %broadcast_in_dim3A_636 = vector.broadcast %broadcast_in_dim3A_635 : i32 to vector<16xi32>
    %gather3A = tpu.vector_load_idx %arg5[%broadcast_in_dim3A_636, %and3A_634] : memref<4x2048xf32, #tpu.memory_space<vmem>>[vector<16xi32>, vector<16xi32>], vector<16xf32>,
    %swap3A_637 = arith.constant 0 : i32
    %swap3A_638 = arith.index_cast %swap3A_637 : i32 to index
    %swap3A_639 = arith.constant 0 : index
    %swap3A_640 = tpu.vector_load %arg8[%swap3A_638, %swap3A_639] {strides = array<i32>} : memref<4x16xf32, #tpu.memory_space<vmem>>, vector<16xf32>,
    tpu.vector_store %arg8[%swap3A_638, %swap3A_639], %gather3A {strides = array<i32>} : memref<4x16xf32, #tpu.memory_space<vmem>>, vector<16xf32>,
    %get3A_641 = arith.constant 1 : i32
    %get3A_642 = arith.index_cast %get3A_641 : i32 to index
    %get3A_643 = arith.constant 0 : index
    %get3A_644 = tpu.vector_load %arg7[%get3A_642, %get3A_643] {strides = array<i32>} : memref<4x16xi32, #tpu.memory_space<vmem>>, vector<16xi32>,
    %and3A_645 = arith.constant 2047 : i32
    %and3A_646 = vector.broadcast %and3A_645 : i32 to vector<16xi32>
    %and3A_647 = arith.andi %get3A_644, %and3A_646 : vector<16xi32>
    %broadcast_in_dim3A_648 = arith.constant 1 : i32
    %broadcast_in_dim3A_649 = vector.broadcast %broadcast_in_dim3A_648 : i32 to vector<16xi32>
    %gather3A_650 = tpu.vector_load_idx %arg5[%broadcast_in_dim3A_649, %and3A_647] : memref<4x2048xf32, #tpu.memory_space<vmem>>[vector<16xi32>, vector<16xi32>], vector<16xf32>,
    %swap3A_651 = arith.constant 1 : i32
    %swap3A_652 = arith.index_cast %swap3A_651 : i32 to index
    %swap3A_653 = arith.constant 0 : index
    %swap3A_654 = tpu.vector_load %arg8[%swap3A_652, %swap3A_653] {strides = array<i32>} : memref<4x16xf32, #tpu.memory_space<vmem>>, vector<16xf32>,
    tpu.vector_store %arg8[%swap3A_652, %swap3A_653], %gather3A_650 {strides = array<i32>} : memref<4x16xf32, #tpu.memory_space<vmem>>, vector<16xf32>,
    %get3A_655 = arith.constant 2 : i32
    %get3A_656 = arith.index_cast %get3A_655 : i32 to index
    %get3A_657 = arith.constant 0 : index
    %get3A_658 = tpu.vector_load %arg7[%get3A_656, %get3A_657] {strides = array<i32>} : memref<4x16xi32, #tpu.memory_space<vmem>>, vector<16xi32>,
    %and3A_659 = arith.constant 2047 : i32
    %and3A_660 = vector.broadcast %and3A_659 : i32 to vector<16xi32>
    %and3A_661 = arith.andi %get3A_658, %and3A_660 : vector<16xi32>
    %broadcast_in_dim3A_662 = arith.constant 2 : i32
    %broadcast_in_dim3A_663 = vector.broadcast %broadcast_in_dim3A_662 : i32 to vector<16xi32>
    %gather3A_664 = tpu.vector_load_idx %arg5[%broadcast_in_dim3A_663, %and3A_661] : memref<4x2048xf32, #tpu.memory_space<vmem>>[vector<16xi32>, vector<16xi32>], vector<16xf32>,
    %swap3A_665 = arith.constant 2 : i32
    %swap3A_666 = arith.index_cast %swap3A_665 : i32 to index
    %swap3A_667 = arith.constant 0 : index
    %swap3A_668 = tpu.vector_load %arg8[%swap3A_666, %swap3A_667] {strides = array<i32>} : memref<4x16xf32, #tpu.memory_space<vmem>>, vector<16xf32>,
    tpu.vector_store %arg8[%swap3A_666, %swap3A_667], %gather3A_664 {strides = array<i32>} : memref<4x16xf32, #tpu.memory_space<vmem>>, vector<16xf32>,
    %get3A_669 = arith.constant 3 : i32
    %get3A_670 = arith.index_cast %get3A_669 : i32 to index
    %get3A_671 = arith.constant 0 : index
    %get3A_672 = tpu.vector_load %arg7[%get3A_670, %get3A_671] {strides = array<i32>} : memref<4x16xi32, #tpu.memory_space<vmem>>, vector<16xi32>,
    %and3A_673 = arith.constant 2047 : i32
    %and3A_674 = vector.broadcast %and3A_673 : i32 to vector<16xi32>
    %and3A_675 = arith.andi %get3A_672, %and3A_674 : vector<16xi32>
    %broadcast_in_dim3A_676 = arith.constant 3 : i32
    %broadcast_in_dim3A_677 = vector.broadcast %broadcast_in_dim3A_676 : i32 to vector<16xi32>
    %gather3A_678 = tpu.vector_load_idx %arg5[%broadcast_in_dim3A_677, %and3A_675] : memref<4x2048xf32, #tpu.memory_space<vmem>>[vector<16xi32>, vector<16xi32>], vector<16xf32>,
    %swap3A_679 = arith.constant 3 : i32
    %swap3A_680 = arith.index_cast %swap3A_679 : i32 to index
    %swap3A_681 = arith.constant 0 : index
    %swap3A_682 = tpu.vector_load %arg8[%swap3A_680, %swap3A_681] {strides = array<i32>} : memref<4x16xf32, #tpu.memory_space<vmem>>, vector<16xf32>,
    tpu.vector_store %arg8[%swap3A_680, %swap3A_681], %gather3A_678 {strides = array<i32>} : memref<4x16xf32, #tpu.memory_space<vmem>>, vector<16xf32>,
    "tpu.region"() ({
      %run_scoped3A = tpu.sem_alloc : memref<!tpu.dma_semaphore, #tpu.memory_space<semaphore_mem>>
      %dma_start3A_683 = arith.constant 0 : i32
      %dma_start3A_684 = tpu.memref_slice %arg4[%mul3A_2, %dma_start3A_683] : memref<128x16xf32, #tpu.memory_space<hbm>> -> memref<4x16xf32, #tpu.memory_space<hbm>>
      %dma_start3A_685 = arith.constant 0 : i32
      %dma_start3A_686 = tpu.memref_slice %arg4[%mul3A_2, %dma_start3A_685] : memref<128x16xf32, #tpu.memory_space<hbm>> -> memref<4x16xf32, #tpu.memory_space<hbm>>
      tpu.enqueue_dma source(%arg8 : memref<4x16xf32, #tpu.memory_space<vmem>>) target(%dma_start3A_686 : memref<4x16xf32, #tpu.memory_space<hbm>>) target_semaphore(%run_scoped3A : memref<!tpu.dma_semaphore, #tpu.memory_space<semaphore_mem>>)
      %dma_wait3A_687 = arith.constant 0 : i32
      %dma_wait3A_688 = tpu.memref_slice %arg4[%mul3A_2, %dma_wait3A_687] : memref<128x16xf32, #tpu.memory_space<hbm>> -> memref<4x16xf32, #tpu.memory_space<hbm>>
      %dma_wait3A_689 = arith.constant 0 : i32
      %dma_wait3A_690 = tpu.memref_slice %arg4[%mul3A_2, %dma_wait3A_689] : memref<128x16xf32, #tpu.memory_space<hbm>> -> memref<4x16xf32, #tpu.memory_space<hbm>>
      tpu.wait_dma2 semaphore(%run_scoped3A : memref<!tpu.dma_semaphore, #tpu.memory_space<semaphore_mem>>) src(%arg8 : memref<4x16xf32, #tpu.memory_space<vmem>>) dst(%dma_wait3A_690 : memref<4x16xf32, #tpu.memory_space<hbm>>)
      tpu.yield
    }) : () -> ()
    return
  }
}

module attributes {stable_mosaic.version = 14 : i64} {
  func.func @_tc_combine(%arg0: memref<128x1xf32, #tpu.memory_space<vmem>>, %arg1: memref<128x16xf32, #tpu.memory_space<vmem>>, %arg2: memref<1x1xf32, #tpu.memory_space<smem>>) attributes {dimension_semantics = [], scalar_prefetch = 0 : i64, scratch_operands = 0 : i64, tpu.core_type = #tpu.core_type<tc>} {
    %get3A = arith.constant 0 : index
    %get3A_0 = arith.constant 0 : index
    %get3A_1 = vector.load %arg0[%get3A, %get3A_0] : memref<128x1xf32, #tpu.memory_space<vmem>>, vector<128x1xf32>
    %broadcast_in_dim3A = arith.constant 0.000000e+00 : f32
    %broadcast_in_dim3A_2 = vector.broadcast %broadcast_in_dim3A : f32 to vector<128x1xf32>
    %get3A_3 = arith.constant 0 : index
    %get3A_4 = arith.constant 0 : index
    %get3A_5 = vector.load %arg1[%get3A_3, %get3A_4] : memref<128x16xf32, #tpu.memory_space<vmem>>, vector<128x1xf32>
    %sub3A = arith.subf %get3A_1, %broadcast_in_dim3A_2 : vector<128x1xf32>
    %log3A = math.log %sub3A : vector<128x1xf32>
    %sub3A_6 = arith.subf %log3A, %get3A_5 : vector<128x1xf32>
    %reduce_sum3A = vector.shape_cast %sub3A_6 : vector<128x1xf32> to vector<1x128x1xf32>
    %reduce_sum3A_7 = arith.constant dense<0.000000e+00> : vector<1xf32>
    %reduce_sum3A_8 = vector.multi_reduction <add>, %reduce_sum3A, %reduce_sum3A_7 [1, 2] : vector<1x128x1xf32> to vector<1xf32>
    %reduce_sum3A_9 = vector.shape_cast %reduce_sum3A_8 : vector<1xf32> to vector<1x1x1xf32>
    %reduce_sum3A_10 = vector.extract %reduce_sum3A_9[0, 0, 0] : f32 from vector<1x1x1xf32>
    %add3A = arith.constant 0.000000e+00 : f32
    %add3A_11 = arith.addf %add3A, %reduce_sum3A_10 : f32
    %exp3A = math.exp %get3A_5 : vector<128x1xf32>
    %add3A_12 = arith.addf %broadcast_in_dim3A_2, %exp3A : vector<128x1xf32>
    %get3A_13 = arith.constant 0 : index
    %get3A_14 = arith.constant 1 : index
    %get3A_15 = vector.load %arg1[%get3A_13, %get3A_14] : memref<128x16xf32, #tpu.memory_space<vmem>>, vector<128x1xf32>
    %sub3A_16 = arith.subf %get3A_1, %add3A_12 : vector<128x1xf32>
    %log3A_17 = math.log %sub3A_16 : vector<128x1xf32>
    %sub3A_18 = arith.subf %log3A_17, %get3A_15 : vector<128x1xf32>
    %reduce_sum3A_19 = vector.shape_cast %sub3A_18 : vector<128x1xf32> to vector<1x128x1xf32>
    %reduce_sum3A_20 = arith.constant dense<0.000000e+00> : vector<1xf32>
    %reduce_sum3A_21 = vector.multi_reduction <add>, %reduce_sum3A_19, %reduce_sum3A_20 [1, 2] : vector<1x128x1xf32> to vector<1xf32>
    %reduce_sum3A_22 = vector.shape_cast %reduce_sum3A_21 : vector<1xf32> to vector<1x1x1xf32>
    %reduce_sum3A_23 = vector.extract %reduce_sum3A_22[0, 0, 0] : f32 from vector<1x1x1xf32>
    %add3A_24 = arith.addf %add3A_11, %reduce_sum3A_23 : f32
    %exp3A_25 = math.exp %get3A_15 : vector<128x1xf32>
    %add3A_26 = arith.addf %add3A_12, %exp3A_25 : vector<128x1xf32>
    %get3A_27 = arith.constant 0 : index
    %get3A_28 = arith.constant 2 : index
    %get3A_29 = vector.load %arg1[%get3A_27, %get3A_28] : memref<128x16xf32, #tpu.memory_space<vmem>>, vector<128x1xf32>
    %sub3A_30 = arith.subf %get3A_1, %add3A_26 : vector<128x1xf32>
    %log3A_31 = math.log %sub3A_30 : vector<128x1xf32>
    %sub3A_32 = arith.subf %log3A_31, %get3A_29 : vector<128x1xf32>
    %reduce_sum3A_33 = vector.shape_cast %sub3A_32 : vector<128x1xf32> to vector<1x128x1xf32>
    %reduce_sum3A_34 = arith.constant dense<0.000000e+00> : vector<1xf32>
    %reduce_sum3A_35 = vector.multi_reduction <add>, %reduce_sum3A_33, %reduce_sum3A_34 [1, 2] : vector<1x128x1xf32> to vector<1xf32>
    %reduce_sum3A_36 = vector.shape_cast %reduce_sum3A_35 : vector<1xf32> to vector<1x1x1xf32>
    %reduce_sum3A_37 = vector.extract %reduce_sum3A_36[0, 0, 0] : f32 from vector<1x1x1xf32>
    %add3A_38 = arith.addf %add3A_24, %reduce_sum3A_37 : f32
    %exp3A_39 = math.exp %get3A_29 : vector<128x1xf32>
    %add3A_40 = arith.addf %add3A_26, %exp3A_39 : vector<128x1xf32>
    %get3A_41 = arith.constant 0 : index
    %get3A_42 = arith.constant 3 : index
    %get3A_43 = vector.load %arg1[%get3A_41, %get3A_42] : memref<128x16xf32, #tpu.memory_space<vmem>>, vector<128x1xf32>
    %sub3A_44 = arith.subf %get3A_1, %add3A_40 : vector<128x1xf32>
    %log3A_45 = math.log %sub3A_44 : vector<128x1xf32>
    %sub3A_46 = arith.subf %log3A_45, %get3A_43 : vector<128x1xf32>
    %reduce_sum3A_47 = vector.shape_cast %sub3A_46 : vector<128x1xf32> to vector<1x128x1xf32>
    %reduce_sum3A_48 = arith.constant dense<0.000000e+00> : vector<1xf32>
    %reduce_sum3A_49 = vector.multi_reduction <add>, %reduce_sum3A_47, %reduce_sum3A_48 [1, 2] : vector<1x128x1xf32> to vector<1xf32>
    %reduce_sum3A_50 = vector.shape_cast %reduce_sum3A_49 : vector<1xf32> to vector<1x1x1xf32>
    %reduce_sum3A_51 = vector.extract %reduce_sum3A_50[0, 0, 0] : f32 from vector<1x1x1xf32>
    %add3A_52 = arith.addf %add3A_38, %reduce_sum3A_51 : f32
    %exp3A_53 = math.exp %get3A_43 : vector<128x1xf32>
    %add3A_54 = arith.addf %add3A_40, %exp3A_53 : vector<128x1xf32>
    %get3A_55 = arith.constant 0 : index
    %get3A_56 = arith.constant 4 : index
    %get3A_57 = vector.load %arg1[%get3A_55, %get3A_56] : memref<128x16xf32, #tpu.memory_space<vmem>>, vector<128x1xf32>
    %sub3A_58 = arith.subf %get3A_1, %add3A_54 : vector<128x1xf32>
    %log3A_59 = math.log %sub3A_58 : vector<128x1xf32>
    %sub3A_60 = arith.subf %log3A_59, %get3A_57 : vector<128x1xf32>
    %reduce_sum3A_61 = vector.shape_cast %sub3A_60 : vector<128x1xf32> to vector<1x128x1xf32>
    %reduce_sum3A_62 = arith.constant dense<0.000000e+00> : vector<1xf32>
    %reduce_sum3A_63 = vector.multi_reduction <add>, %reduce_sum3A_61, %reduce_sum3A_62 [1, 2] : vector<1x128x1xf32> to vector<1xf32>
    %reduce_sum3A_64 = vector.shape_cast %reduce_sum3A_63 : vector<1xf32> to vector<1x1x1xf32>
    %reduce_sum3A_65 = vector.extract %reduce_sum3A_64[0, 0, 0] : f32 from vector<1x1x1xf32>
    %add3A_66 = arith.addf %add3A_52, %reduce_sum3A_65 : f32
    %exp3A_67 = math.exp %get3A_57 : vector<128x1xf32>
    %add3A_68 = arith.addf %add3A_54, %exp3A_67 : vector<128x1xf32>
    %get3A_69 = arith.constant 0 : index
    %get3A_70 = arith.constant 5 : index
    %get3A_71 = vector.load %arg1[%get3A_69, %get3A_70] : memref<128x16xf32, #tpu.memory_space<vmem>>, vector<128x1xf32>
    %sub3A_72 = arith.subf %get3A_1, %add3A_68 : vector<128x1xf32>
    %log3A_73 = math.log %sub3A_72 : vector<128x1xf32>
    %sub3A_74 = arith.subf %log3A_73, %get3A_71 : vector<128x1xf32>
    %reduce_sum3A_75 = vector.shape_cast %sub3A_74 : vector<128x1xf32> to vector<1x128x1xf32>
    %reduce_sum3A_76 = arith.constant dense<0.000000e+00> : vector<1xf32>
    %reduce_sum3A_77 = vector.multi_reduction <add>, %reduce_sum3A_75, %reduce_sum3A_76 [1, 2] : vector<1x128x1xf32> to vector<1xf32>
    %reduce_sum3A_78 = vector.shape_cast %reduce_sum3A_77 : vector<1xf32> to vector<1x1x1xf32>
    %reduce_sum3A_79 = vector.extract %reduce_sum3A_78[0, 0, 0] : f32 from vector<1x1x1xf32>
    %add3A_80 = arith.addf %add3A_66, %reduce_sum3A_79 : f32
    %exp3A_81 = math.exp %get3A_71 : vector<128x1xf32>
    %add3A_82 = arith.addf %add3A_68, %exp3A_81 : vector<128x1xf32>
    %get3A_83 = arith.constant 0 : index
    %get3A_84 = arith.constant 6 : index
    %get3A_85 = vector.load %arg1[%get3A_83, %get3A_84] : memref<128x16xf32, #tpu.memory_space<vmem>>, vector<128x1xf32>
    %sub3A_86 = arith.subf %get3A_1, %add3A_82 : vector<128x1xf32>
    %log3A_87 = math.log %sub3A_86 : vector<128x1xf32>
    %sub3A_88 = arith.subf %log3A_87, %get3A_85 : vector<128x1xf32>
    %reduce_sum3A_89 = vector.shape_cast %sub3A_88 : vector<128x1xf32> to vector<1x128x1xf32>
    %reduce_sum3A_90 = arith.constant dense<0.000000e+00> : vector<1xf32>
    %reduce_sum3A_91 = vector.multi_reduction <add>, %reduce_sum3A_89, %reduce_sum3A_90 [1, 2] : vector<1x128x1xf32> to vector<1xf32>
    %reduce_sum3A_92 = vector.shape_cast %reduce_sum3A_91 : vector<1xf32> to vector<1x1x1xf32>
    %reduce_sum3A_93 = vector.extract %reduce_sum3A_92[0, 0, 0] : f32 from vector<1x1x1xf32>
    %add3A_94 = arith.addf %add3A_80, %reduce_sum3A_93 : f32
    %exp3A_95 = math.exp %get3A_85 : vector<128x1xf32>
    %add3A_96 = arith.addf %add3A_82, %exp3A_95 : vector<128x1xf32>
    %get3A_97 = arith.constant 0 : index
    %get3A_98 = arith.constant 7 : index
    %get3A_99 = vector.load %arg1[%get3A_97, %get3A_98] : memref<128x16xf32, #tpu.memory_space<vmem>>, vector<128x1xf32>
    %sub3A_100 = arith.subf %get3A_1, %add3A_96 : vector<128x1xf32>
    %log3A_101 = math.log %sub3A_100 : vector<128x1xf32>
    %sub3A_102 = arith.subf %log3A_101, %get3A_99 : vector<128x1xf32>
    %reduce_sum3A_103 = vector.shape_cast %sub3A_102 : vector<128x1xf32> to vector<1x128x1xf32>
    %reduce_sum3A_104 = arith.constant dense<0.000000e+00> : vector<1xf32>
    %reduce_sum3A_105 = vector.multi_reduction <add>, %reduce_sum3A_103, %reduce_sum3A_104 [1, 2] : vector<1x128x1xf32> to vector<1xf32>
    %reduce_sum3A_106 = vector.shape_cast %reduce_sum3A_105 : vector<1xf32> to vector<1x1x1xf32>
    %reduce_sum3A_107 = vector.extract %reduce_sum3A_106[0, 0, 0] : f32 from vector<1x1x1xf32>
    %add3A_108 = arith.addf %add3A_94, %reduce_sum3A_107 : f32
    %mul3A = arith.constant 7.812500e-03 : f32
    %mul3A_109 = arith.mulf %add3A_108, %mul3A : f32
    %swap3A = arith.constant 0 : index
    %swap3A_110 = arith.constant 0 : index
    %swap3A_111 = memref.load %arg2[%swap3A, %swap3A_110] : memref<1x1xf32, #tpu.memory_space<smem>>
    memref.store %mul3A_109, %arg2[%swap3A, %swap3A_110] : memref<1x1xf32, #tpu.memory_space<smem>>
    return
  }
}

module attributes {stable_mosaic.version = 14 : i64} {
  func.func @_tc_sumexp(%arg0: memref<128x2048xf32, #tpu.memory_space<vmem>>, %arg1: memref<128x1xf32, #tpu.memory_space<vmem>>) attributes {dimension_semantics = [], scalar_prefetch = 0 : i64, scratch_operands = 0 : i64, tpu.core_type = #tpu.core_type<tc>} {
    %get3A = arith.constant 0 : index
    %get3A_0 = arith.constant 0 : index
    %get3A_1 = vector.load %arg0[%get3A, %get3A_0] : memref<128x2048xf32, #tpu.memory_space<vmem>>, vector<128x2048xf32>
    %exp3A = math.exp %get3A_1 : vector<128x2048xf32>
    %reduce_sum3A = arith.constant dense<0.000000e+00> : vector<128xf32>
    %reduce_sum3A_2 = vector.multi_reduction <add>, %exp3A, %reduce_sum3A [1] : vector<128x2048xf32> to vector<128xf32>
    %broadcast_in_dim3A = vector.shape_cast %reduce_sum3A_2 : vector<128xf32> to vector<128x1xf32>
    %swap3A = arith.constant 0 : index
    %swap3A_3 = arith.constant 0 : index
    %swap3A_4 = vector.load %arg1[%swap3A, %swap3A_3] : memref<128x1xf32, #tpu.memory_space<vmem>>, vector<128x1xf32>
    tpu.vector_store %arg1[%swap3A, %swap3A_3], %broadcast_in_dim3A {strides = array<i32>} : memref<128x1xf32, #tpu.memory_space<vmem>>, vector<128x1xf32>,
    return
  }
}

</mosaic_0001>

<sc_bundles>
// kernel: kernel.5.cloned.1.call-start
scs
__scs_entry_jumppad:
0x0: {  	(pc) =	sbr.rel $0x88, $3  }
0x1: {  	(tag) =	ssettag $0x0;
	lr =	simm.s32 $0x1  }
0x2: {  	[smem:$0x3F9F] =	sst lr;
	_ =	strace $0xD0000000  }
0x3: {  	_ = 	snop  }
0x4: {  	_ = 	snop  }
0x5: {  	_ = 	snop  }
0x6: {  	_ = 	snop  }
0x7: {  	_ = 	snop  }
__scs_overlays_trampoline_lowered:
0x8: {  	[smem:$0x3FAE] =	sst s0  }
0x9: {  	[smem:$0x3FAF] =	sst s1  }
0xa: {  	[smem:$0x3FB0] =	sst s2  }
0xb: {  	[smem:$0x3FB1] =	sst s3  }
0xc: {  	[smem:$0x3FB2] =	sst s4  }
0xd: {  	[smem:$0x3FB3] =	sst s5  }
0xe: {  	[smem:$0x3FB4] =	sst s6  }
0xf: {  	[smem:$0x3FB5] =	sst s7  }
0x10: {  	[smem:$0x3FB6] =	sst s8  }
0x11: {  	[smem:$0x3FB7] =	sst s9;
	s0 =	simm.s32 @!p0 $0x0  }
0x12: {  	s1 =	sld [smem:$0x3F9D];
	s0 =	simm.s32 @p0 $0x1  }
0x13: {  	[smem:$0x3FB8] =	sst s0;
	s0 =	simm.s32 @!p1 $0x0  }
0x14: {  	s2 =	sld [smem:$0x3F9C];
	s0 =	simm.s32 @p1 $0x1  }
0x15: {  	[smem:$0x3FB9] =	sst s0;
	s0 =	simm.s32 @!p2 $0x0  }
0x16: {  	s3 =	sld [smem:$0x3FDB];
	s0 =	simm.s32 @p2 $0x1  }
0x17: {  	s4 =	simm.s32 $0x1BF5;
	[smem:$0x3FBB] =	sst s0  }
0x18: {  	s0 =	sld [smem:$0x3F9E];
	_ =	swait.ge [sflag:s4], $0x0  }
0x19: {  	s7 =	sld [smem:$0x3F9F]  }
0x1a: {  	s8 =	sadd.s32 $0xFFFFE003, lr  }
0x1b: {  	s9 =	sadd.s32 $0xFFFFFEF7, lr;
	s5 =	simm.s32 $0xFFFFFFFF;
	p2 =	slt.u32 s8, $0xFFFFF086  }
0x1c: {  	p1 =	slt.u32 s9, $0xF7A;
	s5 =	simm.s32 @!p2 $0x0  }
0x1d: {  	s5 =	simm.s32 @p1 $0x1;
	p0 =	seq.s32 s7, s2  }
0x1e: {  	s7 =	smul.u32 @!p0 $0xF7A, s2;
	p2 =	seq.s32 @!p0 s5, $0x0  }
0x1f: {  	s9 =	smul.u32 $0xF7A, s1;
	s8 =	simm.s32 @!p0 $0x1BF5;
	p2 =	por !p2, p0  }
0x20: {  	[sflag:s8] =	ssyncset.s32 @!p0 $0xFFFFF086;
	s6 =	sadd.s32 @!p0 s3, s7;
	s7 =	simm.s32 @!p0 $0x108  }
0x21: {  	s3 =	sadd.s32 s3, s9;
	s6 =	sadd.s32 @!p0 $0x88, s6;
	s7 =	simm.s32 @p2 $0x1082  }
0x22: {  	[simem:s7], [sflag:s8] =	dma.local @!p0 [hbm:s6], $0xF7A  }
0x23: {  	s9 =	sor.u32 $0xD0000000, s2;
	s6 =	simm.s32 $0x108;
	_ =	swait.ge @!p0 [sflag:s8], $0x0  }
0x24: {  	s3 =	sadd.s32 $0x88, s3;
	s6 =	simm.s32 @!p1 $0x1082;
	[sflag:s4] =	ssyncset.s32 $0xFFFFF086  }
0x25: {  	[simem:s6], [sflag:s4] =	dma.local [hbm:s3], $0xF7A  }
0x26: {  	[smem:$0x3F9F] =	sst s1;
	(tag) =	ssettag s2;
	_ =	strace s9  }
0x27: {  	s1 =	sld [smem:$0x3FAF]  }
0x28: {  	s2 =	sld [smem:$0x3FB0]  }
0x29: {  	s4 =	sld [smem:$0x3FB2]  }
0x2a: {  	p0 =	seq.s32 s5, $0x0;
	s5 =	sld [smem:$0x3FB3]  }
0x2b: {  	s6 =	sld [smem:$0x3FB4]  }
0x2c: {  	s7 =	sld [smem:$0x3FB5]  }
0x2d: {  	s3 =	simm.s32 $0x108;
	s8 =	sld [smem:$0x3FB6]  }
0x2e: {  	s3 =	simm.s32 @!p0 $0x1082;
	s9 =	sld [smem:$0x3FB7]  }
0x2f: {  	lr =	sadd.s32 s0, s3;
	s0 =	sld [smem:$0x3FAE]  }
0x30: {  	s3 =	sld [smem:$0x3FB1]  }
0x31: {  	[smem:$0x3FBA] =	sst s10  }
0x32: {  	s10 =	sld [smem:$0x3FB8];
	_ =	sdelay $0x3  }
0x33: {  	p0 =	seq.s32 s10, $0x1;
	s10 =	sld [smem:$0x3FBA];
	_ =	sdelay $0x3  }
0x34: {  	[smem:$0x3FBA] =	sst s10  }
0x35: {  	s10 =	sld [smem:$0x3FB9];
	_ =	sdelay $0x3  }
0x36: {  	p1 =	seq.s32 s10, $0x1;
	s10 =	sld [smem:$0x3FBA];
	_ =	sdelay $0x3  }
0x37: {  	[smem:$0x3FBA] =	sst s10  }
0x38: {  	s10 =	sld [smem:$0x3FBB]  }
0x39: {  	_ = 	snop;
	(pc) =	sbr.ind lr, $3  }
0x3a: {  	_ = 	snop  }
0x3b: {  	_ = 	snop  }
0x3c: {  	p2 =	seq.s32 s10, $0x1;
	s10 =	sld [smem:$0x3FBA]  }
0x3d: {  	_ =	shalt  }
0x3e: {  	_ =	shalt  }
0x3f: {  	_ =	shalt  }
0x40: {  	_ =	shalt  }
0x41: {  	_ =	shalt  }
0x42: {  	_ =	shalt  }
0x43: {  	_ =	shalt  }
0x44: {  	_ =	shalt  }
0x45: {  	_ =	shalt  }
0x46: {  	_ =	shalt  }
0x47: {  	_ =	shalt  }
0x48: {  	_ =	shalt  }
0x49: {  	_ =	shalt  }
0x4a: {  	_ =	shalt  }
0x4b: {  	_ =	shalt  }
0x4c: {  	_ =	shalt  }
0x4d: {  	_ =	shalt  }
0x4e: {  	_ =	shalt  }
0x4f: {  	_ =	shalt  }
0x50: {  	_ =	shalt  }
0x51: {  	_ =	shalt  }
0x52: {  	_ =	shalt  }
0x53: {  	_ =	shalt  }
0x54: {  	_ =	shalt  }
0x55: {  	_ =	shalt  }
0x56: {  	_ =	shalt  }
0x57: {  	_ =	shalt  }
0x58: {  	_ =	shalt  }
0x59: {  	_ =	shalt  }
0x5a: {  	_ =	shalt  }
0x5b: {  	_ =	shalt  }
0x5c: {  	_ =	shalt  }
0x5d: {  	_ =	shalt  }
0x5e: {  	_ =	shalt  }
0x5f: {  	_ =	shalt  }
0x60: {  	_ =	shalt  }
0x61: {  	_ =	shalt  }
0x62: {  	_ =	shalt  }
0x63: {  	_ =	shalt  }
0x64: {  	_ =	shalt  }
0x65: {  	_ =	shalt  }
0x66: {  	_ =	shalt  }
0x67: {  	_ =	shalt  }
0x68: {  	_ =	shalt  }
0x69: {  	_ =	shalt  }
0x6a: {  	_ =	shalt  }
0x6b: {  	_ =	shalt  }
0x6c: {  	_ =	shalt  }
0x6d: {  	_ =	shalt  }
0x6e: {  	_ =	shalt  }
0x6f: {  	_ =	shalt  }
0x70: {  	_ =	shalt  }
0x71: {  	_ =	shalt  }
0x72: {  	_ =	shalt  }
0x73: {  	_ =	shalt  }
0x74: {  	_ =	shalt  }
0x75: {  	_ =	shalt  }
0x76: {  	_ =	shalt  }
0x77: {  	_ =	shalt  }
0x78: {  	_ =	shalt  }
0x79: {  	_ =	shalt  }
0x7a: {  	_ =	shalt  }
0x7b: {  	_ =	shalt  }
0x7c: {  	_ =	shalt  }
0x7d: {  	_ =	shalt  }
0x7e: {  	_ =	shalt  }
0x7f: {  	_ =	shalt  }
0x80: {  	_ =	shalt  }
0x81: {  	_ =	shalt  }
0x82: {  	_ =	shalt  }
0x83: {  	_ =	shalt  }
0x84: {  	_ =	shalt  }
0x85: {  	_ =	shalt  }
0x86: {  	_ =	shalt  }
0x87: {  	_ =	shalt  }
.Lfunc_end0:
.L_simem_size_0:
called_computation_lowered:
.L_overlay_start_0:
0x88: {  	s2 =	sld [smem:$0x3FD9]  }
0x89: {  	s3 =	sld [smem:$0x3FFE];
	_ =	sdelay $0x1  }
0x8a: {  	s1 =	srdreg.scid  }
0x8b: {  	s0 =	sand.u32 $0x1, s1  }
0x8c: {  	s17 =	sshll.u32 s0, $0xA;
	s2 =	sadd.s32 s3, s2  }
0x8d: {  	s2 =	sadd.s32 s2, s17  }
0x8e: {  	[smem:$0x3FC6] =	sst s2  }
0x8f: {  	_ = 	snop  }
0x90: {  	s2 =	sld [smem:$0x3FC9]  }
0x91: {  	s18 =	sld [smem:$0x3FC8];
	(tm) =	ssettm $0x1  }
0x92: {  	s4 =	sld [smem:$0x3FFB];
	_ =	sdelay $0x3  }
0x93: {  	_ =	strace s4  }
0x94: {  	s4 =	sld [smem:$0x3FFC];
	_ =	sdelay $0x3  }
0x95: {  	_ =	strace s4  }
0x96: {  	s4 =	sld [smem:$0x3FFD];
	_ =	sdelay $0x3  }
0x97: {  	_ =	strace s4  }
0x98: {  	_ =	strace $0x8FFFFFFF  }
0x99: {  	s19 =	sld [smem:$0x3FDB];
	_ =	sdelay $0x1  }
0x9a: {  	s5 =	simm.s32 $_scs_section_size  }
0x9b: {  	s6 =	simm.s32 $_size__tile_overlayer_lowered;
	s7 =	simm.s32 $_tile_overlayer_lowered  }
0x9c: {  	s22 =	simm.s32 $0x1BFF;
	s21 =	sshll.u32 s7, $0x1;
	s4 =	sadd.s32 s5, s19  }
0x9d: {  	s8 =	simm.s32 $0x0;
	s20 =	sshll.u32 s6, $0x1;
	s6 =	sadd.s32 s21, s4  }
0x9e: {  	[timem:s8], [sflag:s22] =	dma.local [hbm:s6], s20  }
0x9f: {  	_ =	swait.ge [sflag:s22], s20  }
0xa0: {  	s5 =	ssub.s32 $0x0, s20;
	[sflag:s22] =	ssyncset.done $0x0  }
0xa1: {  	[sflag:s22] =	ssyncadd.s32 s5;
	_ =	sdelay $0x1  }
0xa2: {  	s23 =	simm.s32 $0x1B8B  }
0xa3: {  	_ =	swait.ge [sflag:s23], $0x1  }
0xa4: {  	[sflag:s23] =	ssyncset.done $0x0  }
0xa5: {  	s25 =	simm.s32 $0x1B8E;
	s24 =	sld [smem:$0x3FFE];
	[sflag:s23] =	ssyncadd.s32 $0xFFFFFFFF  }
0xa6: {  	s26 =	simm.s32 $execute0_lowered;
	[smem:$0x3FD2] =	sst s25  }
0xa7: {  	s6 =	sshll.u32 s26, $0x1;
	_ =	strace $0x80000046;
	[dreg:$0x1] =	wrdreg $0xFFFFFFFF  }
0xa8: {  	s28 =	simm.s32 $_size_execute0_lowered;
	s4 =	sadd.s32 s4, s6;
	[dreg:$0x0] =	wrdreg $0x0  }
0xa9: {  	s6 =	sshll.u32 s28, $0x1;
	[dreg:$0x2] =	wrdreg s4  }
0xaa: {  	[dreg:$0x3] =	wrdreg s6  }
0xab: {  	[dreg:$0x4] =	wrdreg $0xC0  }
0xac: {  	_ =	task [dreg:s8], $0x5FFFF  }
0xad: {  	[dreg:$0x1] =	wrdreg $0xFFFFFFFF  }
0xae: {  	[dreg:$0x0] =	wrdreg $0x60  }
0xaf: {  	[dreg:$0x2] =	wrdreg s2  }
0xb0: {  	[dreg:$0x3] =	wrdreg s18  }
0xb1: {  	[dreg:$0x4] =	wrdreg s24  }
0xb2: {  	[dreg:$0x5] =	wrdreg $0x9  }
0xb3: {  	_ =	task.clear_ibuf [dreg:s8], $0x6FFFF;
	_ =	strace $0x90000046  }
0xb4: {  	s29 =	simm.s32 $0x9;
	_ =	strace $0x80000048  }
0xb5: {  	_ =	swait.ge [sflag:s29], $0x1  }
0xb6: {  	[sflag:s29] =	ssyncadd.s32 $0xFFFFFFFF  }
0xb7: {  	_ =	strace $0x90000048  }
0xb8: {  	_ =	sfence  }
0xb9: {  	s30 =	sld [smem:$0x0];
	_ =	sdelay $0x2  }
0xba: {  	s31 =	sshll.u32 s1, $0xD;
	s1 =	sshrl.u32 s1, $0x2  }
0xbb: {  	s3 =	sand.u32 $0x4000, s31;
	s1 =	sadd.s32 s1, s30  }
0xbc: {  	s0 =	sor.u32 s3, s0;
	s1 =	sshll.u32 s1, $0x11  }
0xbd: {  	s0 =	sor.u32 s1, s0  }
0xbe: {  	s0 =	sadd.s32 $0x8F2B, s0  }
0xbf: {  	[sflag:s0] =	ssyncadd.remote.s32 $0x1  }
0xc0: {  	_ =	sfence.sel $0xFFFF  }
0xc1: {  	[dreg:$0x0] =	wrdreg $0xFFFFFFFF;
	(pc) =	sbr.abs _section_cstart, $3  }
0xc2: {  	[dreg:$0x1] =	wrdreg $0xFFFFFFFF  }
0xc3: {  	_ =	task.clear_ibuf [dreg:s8], $0x2FFFF;
	_ =	strace $0x9FFFFFFF  }
0xc4: {  	(tm) =	ssettm $0x7FFFFFFF  }
0xc5: {  	_ =	shalt  }
tec
execute0_lowered:
.L_overlay_start_1:
0x0: {  	(tag) =	ssettag $0x1  }
0x1: {  	s0 =	rddreg [dreg:$0x0]  }
0x2: {  	s1 =	rddreg [dreg:$0x1]  }
0x3: {  	s3 =	rddreg [dreg:$0x2]  }
0x4: {  	s2 =	simm.s32 $0x0;
	s4 =	srdreg.scid;
	s7 =	stileid.u32  }
0x5: {  	[smem:$0x7FF] =	sst s2;
	s4 =	sand.u32 $0x1, s4;
	s6 =	sshll.u32 s7, $0xA  }
0x6: {  	s7 =	sshll.u32 s7, $0xE;
	s5 =	sshll.u32 s4, $0x9;
	_ =	strace $0x80000047  }
0x7: {  	s4 =	ssub.s32 $0x2, s4;
	s6 =	sor.u32 s5, s6;
	s5 =	sor.u32 s5, s7  }
0x8: {  	s23 =	sshrl.u32 s4, $0x1;
	s6 =	sshrl.u32 s6, $0x3;
	s5 =	sshrl.u32 s5, $0x3  }
0x9: {  	s24 =	ssub.s32 s4, s23;
	s6 =	sadd.s32 s6, s3;
	s0 =	sadd.s32 s0, s5  }
0xa: {  	s3 =	sadd.s32 s1, s5;
	s9 =	smax.u32 s24, $0x1;
	[dreg:$0x7] =	wrdreg s0  }
0xb: {  	s25 =	sadd.s32 $0x10, s3;
	[dreg:$0x9] =	wrdreg s9  }
0xc: {  	s26 =	sadd.s32 $0x20, s3;
	[dreg:$0x4] =	wrdreg s25  }
0xd: {  	s7 =	sadd.s32 $0x30, s3;
	[dreg:$0x5] =	wrdreg s26  }
0xe: {  	s8 =	sadd.s32 $0x800, s6;
	[dreg:$0x6] =	wrdreg s7  }
0xf: {  	s10 =	sadd.s32 $0x80, s3;
	[dreg:$0x8] =	wrdreg s8  }
0x10: {  	s11 =	sadd.s32 $0x100, s3;
	[dreg:$0xa] =	wrdreg s10  }
0x11: {  	s12 =	sadd.s32 $0x180, s3;
	[dreg:$0xb] =	wrdreg s11  }
0x12: {  	s13 =	sadd.s32 $0x200, s3;
	[dreg:$0xc] =	wrdreg s12  }
0x13: {  	s14 =	sadd.s32 $0x280, s3;
	[dreg:$0xd] =	wrdreg s13  }
0x14: {  	s15 =	sadd.s32 $0x300, s3;
	[dreg:$0xe] =	wrdreg s14  }
0x15: {  	s16 =	sadd.s32 $0x380, s3;
	[dreg:$0xf] =	wrdreg s15  }
0x16: {  	s17 =	sadd.s32 $0x400, s3;
	[dreg:$0x10] =	wrdreg s16  }
0x17: {  	s18 =	sadd.s32 $0x480, s3;
	[dreg:$0x11] =	wrdreg s17  }
0x18: {  	s19 =	sadd.s32 $0x500, s3;
	[dreg:$0x12] =	wrdreg s18  }
0x19: {  	s20 =	sadd.s32 $0x580, s3;
	[dreg:$0x13] =	wrdreg s19  }
0x1a: {  	s21 =	sadd.s32 $0x600, s3;
	[dreg:$0x14] =	wrdreg s20  }
0x1b: {  	s22 =	sadd.s32 $0x680, s3;
	[dreg:$0x15] =	wrdreg s21  }
0x1c: {  	s23 =	sadd.s32 $0x700, s3;
	[dreg:$0x16] =	wrdreg s22  }
0x1d: {  	s24 =	sadd.s32 $0x780, s3;
	[dreg:$0x17] =	wrdreg s23  }
0x1e: {  	s1 =	sadd.s32 $0x190, s3;
	[dreg:$0x18] =	wrdreg s24  }
0x1f: {  	s4 =	sadd.s32 $0x210, s3;
	[dreg:$0x1b] =	wrdreg s1  }
0x20: {  	s5 =	sadd.s32 $0x290, s3;
	[dreg:$0x1c] =	wrdreg s4  }
0x21: {  	s6 =	sadd.s32 $0x310, s3;
	[dreg:$0x1d] =	wrdreg s5  }
0x22: {  	s9 =	sadd.s32 $0x490, s3;
	[dreg:$0x1e] =	wrdreg s6  }
0x23: {  	s25 =	sadd.s32 $0x90, s3;
	[smem:$0x7EC] =	sst s9  }
0x24: {  	s26 =	sadd.s32 $0x110, s3;
	[dreg:$0x19] =	wrdreg s25  }
0x25: {  	s7 =	sadd.s32 $0x390, s3;
	[dreg:$0x1a] =	wrdreg s26  }
0x26: {  	s8 =	sadd.s32 $0x410, s3;
	[dreg:$0x1f] =	wrdreg s7  }
0x27: {  	s10 =	sadd.s32 $0x510, s3;
	[smem:$0x7EB] =	sst s8  }
0x28: {  	s11 =	sadd.s32 $0x590, s3;
	[smem:$0x7ED] =	sst s10  }
0x29: {  	s12 =	sadd.s32 $0x610, s3;
	[smem:$0x7EE] =	sst s11  }
0x2a: {  	s13 =	sadd.s32 $0x690, s3;
	[smem:$0x7EF] =	sst s12  }
0x2b: {  	s14 =	sadd.s32 $0x710, s3;
	[smem:$0x7F0] =	sst s13  }
0x2c: {  	s28 =	sadd.s32 $0x130, s3;
	s15 =	sadd.s32 $0x790, s3;
	[smem:$0x7F1] =	sst s14  }
0x2d: {  	s29 =	sadd.s32 $0x1B0, s3;
	s16 =	sadd.s32 $0xA0, s3;
	[smem:$0x7F2] =	sst s15  }
0x2e: {  	s30 =	sadd.s32 $0x230, s3;
	s17 =	sadd.s32 $0x120, s3;
	[smem:$0x7F3] =	sst s16  }
0x2f: {  	s31 =	sadd.s32 $0x2B0, s3;
	s18 =	sadd.s32 $0x1A0, s3;
	[smem:$0x7F4] =	sst s17  }
0x30: {  	s0 =	sadd.s32 $0x330, s3;
	s19 =	sadd.s32 $0x220, s3;
	[smem:$0x7F5] =	sst s18  }
0x31: {  	s20 =	sadd.s32 $0x2A0, s3;
	s21 =	sadd.s32 $0x320, s3;
	[smem:$0x7F6] =	sst s19  }
0x32: {  	s22 =	sadd.s32 $0x3A0, s3;
	s23 =	sadd.s32 $0x420, s3;
	[smem:$0x7F7] =	sst s20  }
0x33: {  	s24 =	sadd.s32 $0x4A0, s3;
	s1 =	sadd.s32 $0x3B0, s3;
	[smem:$0x7F8] =	sst s21  }
0x34: {  	s4 =	sadd.s32 $0x430, s3;
	s5 =	sadd.s32 $0x4B0, s3;
	[smem:$0x7F9] =	sst s22  }
0x35: {  	s6 =	sadd.s32 $0x530, s3;
	s9 =	sadd.s32 $0x6B0, s3;
	[smem:$0x7FA] =	sst s23  }
0x36: {  	[smem:$0x7FB] =	sst s24;
	s25 =	sadd.s32 $0x520, s3;
	s26 =	sadd.s32 $0x5A0, s3  }
0x37: {  	s22 =	sadd.s32 $0x620, s3;
	s23 =	sadd.s32 $0x6A0, s3;
	s24 =	sadd.s32 $0x720, s3  }
0x38: {  	v0 =	vlaneseq.u32;
	s7 =	sadd.s32 $0x5B0, s3;
	s8 =	sadd.s32 $0x630, s3;
	s10 =	sadd.s32 $0x730, s3  }
0x39: {  	v1 =	vmul.u32 $0xFFFFFFFF, v0;
	s11 =	sadd.s32 $0x7B0, s3;
	s12 =	simm.s32 $0x2;
	s13 =	simm.s32 $0x1  }
0x3a: {  	s14 =	simm.s32 $0x3;
	s15 =	simm.s32 $0x0;
	[smem:$0x7FC] =	sst s25  }
0x3b: {  	v1 =	vadd.s32 $0xF, v1;
	[smem:$0x7FD] =	sst s26;
	s25 =	sadd.s32 $0x7A0, s3;
	s26 =	sadd.s32 $0xB0, s3  }
.LBB2_1:
0x3c: {  	s16 =	simm.s32 $0x2000;
	s19 =	rddreg [dreg:$0xa]  }
0x3d: {  	[tilespmem:s16], [sflag:$0x2] =	stream.linear.gather [hbm4b:s3+s2], $0x80, $0x38;
	[tilespmem:$0x4400] =	vst v63  }
0x3e: {  	s17 =	simm.s32 $0x2200;
	s20 =	rddreg [dreg:$0xb]  }
0x3f: {  	[tilespmem:s17], [sflag:$0x2] =	stream.linear.gather [hbm4b:s19+s2], $0x80, $0x38;
	[tilespmem:$0x4400] =	vst v63  }
0x40: {  	s21 =	simm.s32 $0x2400;
	s18 =	rddreg [dreg:$0xc]  }
0x41: {  	[tilespmem:s21], [sflag:$0x2] =	stream.linear.gather [hbm4b:s20+s2], $0x80, $0x38;
	[tilespmem:$0x4400] =	vst v63  }
0x42: {  	s19 =	simm.s32 $0x2600;
	s20 =	rddreg [dreg:$0xd]  }
0x43: {  	[tilespmem:s19], [sflag:$0x2] =	stream.linear.gather [hbm4b:s18+s2], $0x80, $0x38;
	[tilespmem:$0x4400] =	vst v63  }
0x44: {  	s21 =	simm.s32 $0x2800;
	s18 =	rddreg [dreg:$0xe]  }
0x45: {  	[tilespmem:s21], [sflag:$0x2] =	stream.linear.gather [hbm4b:s20+s2], $0x80, $0x38;
	[tilespmem:$0x4400] =	vst v63  }
0x46: {  	s19 =	simm.s32 $0x2A00;
	s20 =	rddreg [dreg:$0xf]  }
0x47: {  	[tilespmem:s19], [sflag:$0x2] =	stream.linear.gather [hbm4b:s18+s2], $0x80, $0x38;
	[tilespmem:$0x4400] =	vst v63  }
0x48: {  	s21 =	simm.s32 $0x2C00;
	s18 =	rddreg [dreg:$0x10]  }
0x49: {  	[tilespmem:s21], [sflag:$0x2] =	stream.linear.gather [hbm4b:s20+s2], $0x80, $0x38;
	[tilespmem:$0x4400] =	vst v63  }
0x4a: {  	s19 =	simm.s32 $0x2E00;
	s20 =	rddreg [dreg:$0x11]  }
0x4b: {  	[tilespmem:s19], [sflag:$0x2] =	stream.linear.gather [hbm4b:s18+s2], $0x80, $0x38;
	[tilespmem:$0x4400] =	vst v63  }
0x4c: {  	s21 =	simm.s32 $0x3000;
	s18 =	rddreg [dreg:$0x12]  }
0x4d: {  	[tilespmem:s21], [sflag:$0x2] =	stream.linear.gather [hbm4b:s20+s2], $0x80, $0x38;
	[tilespmem:$0x4400] =	vst v63  }
0x4e: {  	s19 =	simm.s32 $0x3200;
	s20 =	rddreg [dreg:$0x13]  }
0x4f: {  	[tilespmem:s19], [sflag:$0x2] =	stream.linear.gather [hbm4b:s18+s2], $0x80, $0x38;
	[tilespmem:$0x4400] =	vst v63  }
0x50: {  	s21 =	simm.s32 $0x3400;
	s18 =	rddreg [dreg:$0x14]  }
0x51: {  	[tilespmem:s21], [sflag:$0x2] =	stream.linear.gather [hbm4b:s20+s2], $0x80, $0x38;
	[tilespmem:$0x4400] =	vst v63  }
0x52: {  	s19 =	simm.s32 $0x3600;
	s20 =	rddreg [dreg:$0x15]  }
0x53: {  	[tilespmem:s19], [sflag:$0x2] =	stream.linear.gather [hbm4b:s18+s2], $0x80, $0x38;
	[tilespmem:$0x4400] =	vst v63  }
0x54: {  	s21 =	simm.s32 $0x3800;
	s18 =	rddreg [dreg:$0x16]  }
0x55: {  	[tilespmem:s21], [sflag:$0x2] =	stream.linear.gather [hbm4b:s20+s2], $0x80, $0x38;
	[tilespmem:$0x4400] =	vst v63  }
0x56: {  	s19 =	simm.s32 $0x3A00;
	s20 =	rddreg [dreg:$0x17]  }
0x57: {  	[tilespmem:s19], [sflag:$0x2] =	stream.linear.gather [hbm4b:s18+s2], $0x80, $0x38;
	[tilespmem:$0x4400] =	vst v63  }
0x58: {  	s21 =	simm.s32 $0x3C00;
	s18 =	rddreg [dreg:$0x18]  }
0x59: {  	[tilespmem:s21], [sflag:$0x2] =	stream.linear.gather [hbm4b:s20+s2], $0x80, $0x38;
	[tilespmem:$0x4400] =	vst v63  }
0x5a: {  	s19 =	simm.s32 $0x3E00;
	s20 =	rddreg [dreg:$0x4]  }
0x5b: {  	[tilespmem:s19], [sflag:$0x2] =	stream.linear.gather [hbm4b:s18+s2], $0x80, $0x38;
	[tilespmem:$0x4400] =	vst v63  }
0x5c: {  	s21 =	simm.s32 $0x2080;
	s18 =	rddreg [dreg:$0x19]  }
0x5d: {  	[tilespmem:s21], [sflag:$0x2] =	stream.linear.gather [hbm4b:s20+s2], $0x80, $0x38;
	[tilespmem:$0x4400] =	vst v63  }
0x5e: {  	s19 =	simm.s32 $0x2280;
	s20 =	rddreg [dreg:$0x1a]  }
0x5f: {  	[tilespmem:s19], [sflag:$0x2] =	stream.linear.gather [hbm4b:s18+s2], $0x80, $0x38;
	[tilespmem:$0x4400] =	vst v63  }
0x60: {  	s21 =	simm.s32 $0x2480;
	s18 =	rddreg [dreg:$0x1b]  }
0x61: {  	[tilespmem:s21], [sflag:$0x2] =	stream.linear.gather [hbm4b:s20+s2], $0x80, $0x38;
	[tilespmem:$0x4400] =	vst v63  }
0x62: {  	s19 =	simm.s32 $0x2680;
	s20 =	rddreg [dreg:$0x1c]  }
0x63: {  	[tilespmem:s19], [sflag:$0x2] =	stream.linear.gather [hbm4b:s18+s2], $0x80, $0x38;
	[tilespmem:$0x4400] =	vst v63  }
0x64: {  	s21 =	simm.s32 $0x2880;
	s18 =	rddreg [dreg:$0x1d]  }
0x65: {  	[tilespmem:s21], [sflag:$0x2] =	stream.linear.gather [hbm4b:s20+s2], $0x80, $0x38;
	[tilespmem:$0x4400] =	vst v63  }
0x66: {  	s19 =	simm.s32 $0x2A80;
	s20 =	rddreg [dreg:$0x1e]  }
0x67: {  	[tilespmem:s19], [sflag:$0x2] =	stream.linear.gather [hbm4b:s18+s2], $0x80, $0x38;
	[tilespmem:$0x4400] =	vst v63  }
0x68: {  	s21 =	simm.s32 $0x2C80;
	s18 =	rddreg [dreg:$0x1f]  }
0x69: {  	[tilespmem:s21], [sflag:$0x2] =	stream.linear.gather [hbm4b:s20+s2], $0x80, $0x38;
	[tilespmem:$0x4400] =	vst v63  }
0x6a: {  	s19 =	simm.s32 $0x2E80;
	s20 =	sld [smem:$0x7EB]  }
0x6b: {  	[tilespmem:s19], [sflag:$0x2] =	stream.linear.gather [hbm4b:s18+s2], $0x80, $0x38;
	[tilespmem:$0x4400] =	vst v63  }
0x6c: {  	s21 =	simm.s32 $0x3080;
	s18 =	sld [smem:$0x7EC]  }
0x6d: {  	[tilespmem:s21], [sflag:$0x2] =	stream.linear.gather [hbm4b:s20+s2], $0x80, $0x38;
	[tilespmem:$0x4400] =	vst v63  }
0x6e: {  	s19 =	simm.s32 $0x3280;
	s20 =	sld [smem:$0x7ED]  }
0x6f: {  	[tilespmem:s19], [sflag:$0x2] =	stream.linear.gather [hbm4b:s18+s2], $0x80, $0x38;
	[tilespmem:$0x4400] =	vst v63  }
0x70: {  	s21 =	simm.s32 $0x3480;
	s18 =	sld [smem:$0x7EE]  }
0x71: {  	[tilespmem:s21], [sflag:$0x2] =	stream.linear.gather [hbm4b:s20+s2], $0x80, $0x38;
	[tilespmem:$0x4400] =	vst v63  }
0x72: {  	s19 =	simm.s32 $0x3680;
	s20 =	sld [smem:$0x7EF]  }
0x73: {  	[tilespmem:s19], [sflag:$0x2] =	stream.linear.gather [hbm4b:s18+s2], $0x80, $0x38;
	[tilespmem:$0x4400] =	vst v63  }
0x74: {  	s21 =	simm.s32 $0x3880;
	s18 =	sld [smem:$0x7F0]  }
0x75: {  	[tilespmem:s21], [sflag:$0x2] =	stream.linear.gather [hbm4b:s20+s2], $0x80, $0x38;
	[tilespmem:$0x4400] =	vst v63  }
0x76: {  	s19 =	simm.s32 $0x3A80;
	s20 =	sld [smem:$0x7F1]  }
0x77: {  	[tilespmem:s19], [sflag:$0x2] =	stream.linear.gather [hbm4b:s18+s2], $0x80, $0x38;
	[tilespmem:$0x4400] =	vst v63  }
0x78: {  	s21 =	simm.s32 $0x3C80;
	s18 =	sld [smem:$0x7F2]  }
0x79: {  	[tilespmem:s21], [sflag:$0x2] =	stream.linear.gather [hbm4b:s20+s2], $0x80, $0x38;
	[tilespmem:$0x4400] =	vst v63  }
0x7a: {  	s19 =	simm.s32 $0x3E80;
	s20 =	rddreg [dreg:$0x5]  }
0x7b: {  	[tilespmem:s19], [sflag:$0x2] =	stream.linear.gather [hbm4b:s18+s2], $0x80, $0x38;
	[tilespmem:$0x4400] =	vst v63  }
0x7c: {  	s21 =	simm.s32 $0x2100;
	s18 =	sld [smem:$0x7F3]  }
0x7d: {  	[tilespmem:s21], [sflag:$0x2] =	stream.linear.gather [hbm4b:s20+s2], $0x80, $0x38;
	[tilespmem:$0x4400] =	vst v63  }
0x7e: {  	s19 =	simm.s32 $0x2300;
	s20 =	sld [smem:$0x7F4]  }
0x7f: {  	[tilespmem:s19], [sflag:$0x2] =	stream.linear.gather [hbm4b:s18+s2], $0x80, $0x38;
	[tilespmem:$0x4400] =	vst v63  }
0x80: {  	s21 =	simm.s32 $0x2500;
	s18 =	sld [smem:$0x7F5]  }
0x81: {  	[tilespmem:s21], [sflag:$0x2] =	stream.linear.gather [hbm4b:s20+s2], $0x80, $0x38;
	[tilespmem:$0x4400] =	vst v63  }
0x82: {  	s19 =	simm.s32 $0x2700;
	s20 =	sld [smem:$0x7F6]  }
0x83: {  	[tilespmem:s19], [sflag:$0x2] =	stream.linear.gather [hbm4b:s18+s2], $0x80, $0x38;
	[tilespmem:$0x4400] =	vst v63  }
0x84: {  	s21 =	simm.s32 $0x2900;
	s18 =	sld [smem:$0x7F7]  }
0x85: {  	[tilespmem:s21], [sflag:$0x2] =	stream.linear.gather [hbm4b:s20+s2], $0x80, $0x38;
	[tilespmem:$0x4400] =	vst v63  }
0x86: {  	s19 =	simm.s32 $0x2B00;
	s20 =	sld [smem:$0x7F8]  }
0x87: {  	[tilespmem:s19], [sflag:$0x2] =	stream.linear.gather [hbm4b:s18+s2], $0x80, $0x38;
	[tilespmem:$0x4400] =	vst v63  }
0x88: {  	s21 =	simm.s32 $0x2D00;
	s18 =	sld [smem:$0x7F9]  }
0x89: {  	[tilespmem:s21], [sflag:$0x2] =	stream.linear.gather [hbm4b:s20+s2], $0x80, $0x38;
	[tilespmem:$0x4400] =	vst v63  }
0x8a: {  	s19 =	simm.s32 $0x2F00;
	s20 =	sld [smem:$0x7FA]  }
0x8b: {  	[tilespmem:s19], [sflag:$0x2] =	stream.linear.gather [hbm4b:s18+s2], $0x80, $0x38;
	[tilespmem:$0x4400] =	vst v63  }
0x8c: {  	s21 =	simm.s32 $0x3100;
	s18 =	sld [smem:$0x7FB]  }
0x8d: {  	[tilespmem:s21], [sflag:$0x2] =	stream.linear.gather [hbm4b:s20+s2], $0x80, $0x38;
	[tilespmem:$0x4400] =	vst v63  }
0x8e: {  	s19 =	simm.s32 $0x3300;
	s20 =	sld [smem:$0x7FC]  }
0x8f: {  	[tilespmem:s19], [sflag:$0x2] =	stream.linear.gather [hbm4b:s18+s2], $0x80, $0x38;
	[tilespmem:$0x4400] =	vst v63  }
0x90: {  	s17 =	sld [smem:$0x7FD];
	s21 =	simm.s32 $0x3500  }
0x91: {  	[tilespmem:s21], [sflag:$0x2] =	stream.linear.gather [hbm4b:s20+s2], $0x80, $0x38;
	[tilespmem:$0x4400] =	vst v63  }
0x92: {  	s18 =	simm.s32 $0x3700  }
0x93: {  	[tilespmem:s18], [sflag:$0x2] =	stream.linear.gather [hbm4b:s17+s2], $0x80, $0x38;
	[tilespmem:$0x4400] =	vst v63  }
0x94: {  	s19 =	simm.s32 $0x3900  }
0x95: {  	[tilespmem:s19], [sflag:$0x2] =	stream.linear.gather [hbm4b:s22+s2], $0x80, $0x38;
	[tilespmem:$0x4400] =	vst v63  }
0x96: {  	s20 =	simm.s32 $0x3B00  }
0x97: {  	[tilespmem:s20], [sflag:$0x2] =	stream.linear.gather [hbm4b:s23+s2], $0x80, $0x38;
	[tilespmem:$0x4400] =	vst v63  }
0x98: {  	s21 =	simm.s32 $0x3D00  }
0x99: {  	[tilespmem:s21], [sflag:$0x2] =	stream.linear.gather [hbm4b:s24+s2], $0x80, $0x38;
	[tilespmem:$0x4400] =	vst v63  }
0x9a: {  	s17 =	simm.s32 $0x3F00  }
0x9b: {  	[tilespmem:s17], [sflag:$0x2] =	stream.linear.gather [hbm4b:s25+s2], $0x80, $0x38;
	[tilespmem:$0x4400] =	vst v63  }
0x9c: {  	s18 =	rddreg [dreg:$0x6];
	s19 =	simm.s32 $0x2180  }
0x9d: {  	[tilespmem:s19], [sflag:$0x2] =	stream.linear.gather [hbm4b:s18+s2], $0x80, $0x38;
	[tilespmem:$0x4400] =	vst v63  }
0x9e: {  	s20 =	simm.s32 $0x2380  }
0x9f: {  	[tilespmem:s20], [sflag:$0x2] =	stream.linear.gather [hbm4b:s26+s2], $0x80, $0x38;
	[tilespmem:$0x4400] =	vst v63  }
0xa0: {  	s21 =	simm.s32 $0x2580  }
0xa1: {  	[tilespmem:s21], [sflag:$0x2] =	stream.linear.gather [hbm4b:s28+s2], $0x80, $0x38;
	[tilespmem:$0x4400] =	vst v63  }
0xa2: {  	s17 =	simm.s32 $0x2780  }
0xa3: {  	[tilespmem:s17], [sflag:$0x2] =	stream.linear.gather [hbm4b:s29+s2], $0x80, $0x38;
	[tilespmem:$0x4400] =	vst v63  }
0xa4: {  	s18 =	simm.s32 $0x2980  }
0xa5: {  	[tilespmem:s18], [sflag:$0x2] =	stream.linear.gather [hbm4b:s30+s2], $0x80, $0x38;
	[tilespmem:$0x4400] =	vst v63  }
0xa6: {  	s19 =	simm.s32 $0x2B80  }
0xa7: {  	[tilespmem:s19], [sflag:$0x2] =	stream.linear.gather [hbm4b:s31+s2], $0x80, $0x38;
	[tilespmem:$0x4400] =	vst v63  }
0xa8: {  	s20 =	simm.s32 $0x2D80  }
0xa9: {  	[tilespmem:s20], [sflag:$0x2] =	stream.linear.gather [hbm4b:s0+s2], $0x80, $0x38;
	[tilespmem:$0x4400] =	vst v63  }
0xaa: {  	s21 =	simm.s32 $0x2F80  }
0xab: {  	[tilespmem:s21], [sflag:$0x2] =	stream.linear.gather [hbm4b:s1+s2], $0x80, $0x38;
	[tilespmem:$0x4400] =	vst v63  }
0xac: {  	s17 =	simm.s32 $0x3180  }
0xad: {  	[tilespmem:s17], [sflag:$0x2] =	stream.linear.gather [hbm4b:s4+s2], $0x80, $0x38;
	[tilespmem:$0x4400] =	vst v63  }
0xae: {  	s18 =	simm.s32 $0x3380  }
0xaf: {  	[tilespmem:s18], [sflag:$0x2] =	stream.linear.gather [hbm4b:s5+s2], $0x80, $0x38;
	[tilespmem:$0x4400] =	vst v63  }
0xb0: {  	s19 =	simm.s32 $0x3580  }
0xb1: {  	[tilespmem:s19], [sflag:$0x2] =	stream.linear.gather [hbm4b:s6+s2], $0x80, $0x38;
	[tilespmem:$0x4400] =	vst v63  }
0xb2: {  	s20 =	simm.s32 $0x3780  }
0xb3: {  	[tilespmem:s20], [sflag:$0x2] =	stream.linear.gather [hbm4b:s7+s2], $0x80, $0x38;
	[tilespmem:$0x4400] =	vst v63  }
0xb4: {  	s21 =	simm.s32 $0x3980  }
0xb5: {  	[tilespmem:s21], [sflag:$0x2] =	stream.linear.gather [hbm4b:s8+s2], $0x80, $0x38;
	[tilespmem:$0x4400] =	vst v63  }
0xb6: {  	s17 =	simm.s32 $0x3B80  }
0xb7: {  	[tilespmem:s17], [sflag:$0x2] =	stream.linear.gather [hbm4b:s9+s2], $0x80, $0x38;
	[tilespmem:$0x4400] =	vst v63  }
0xb8: {  	s18 =	simm.s32 $0x3D80  }
0xb9: {  	[tilespmem:s18], [sflag:$0x2] =	stream.linear.gather [hbm4b:s10+s2], $0x80, $0x38;
	[tilespmem:$0x4400] =	vst v63  }
0xba: {  	s19 =	simm.s32 $0x3F80  }
0xbb: {  	[tilespmem:s19], [sflag:$0x2] =	stream.linear.gather [hbm4b:s11+s2], $0x80, $0x38;
	[tilespmem:$0x4400] =	vst v63  }
0xbc: {  	s20 =	rddreg [dreg:$0x7];
	s21 =	simm.s32 $0x200;
	s18 =	simm.s32 $0x400  }
0xbd: {  	[tilespmem:s2], [sflag:$0x1] =	stream.strided.gather [hbm4b:s20+s21], $0x2000, s18, s21, $0x38;
	[tilespmem:$0x4400] =	vst v63  }
0xbe: {  	_ =	swait.ge [sflag:s12], $0x800  }
0xbf: {  	s19 =	sand.u32 $0x70, s2;
	s20 =	sand.u32 $0x1E00, s2;
	[sflag:s12] =	ssyncset.done $0x0  }
0xc0: {  	s16 =	sor.u32 s19, s20;
	[sflag:s12] =	ssyncadd.s32 $0xFFFFF800  }
0xc1: {  	v2 =	vld [tilespmem:s16+$0x2000]  }
0xc2: {  	s21 =	simm.s32 $0x10;
	s18 =	simm.s32 $0x40  }
0xc3: {  	s19 =	sand.u32 $0x70, s21;
	s17 =	sand.u32 $0x1E00, s18  }
0xc4: {  	s17 =	sor.u32 s19, s17  }
0xc5: {  	v3 =	vld [tilespmem:s17+$0x2000]  }
0xc6: {  	v2 =	vand.u32 $0xFFFFF800, v2  }
0xc7: {  	v4 =	vor.u32 s2, v2  }
0xc8: {  	v2 =	vimm.f32 $+Inf;
	v4 =	vor.u32 v0, v4  }
0xc9: {  	v9 =	vmax.f32 v2, v4  }
0xca: {  	s20 =	simm.s32 $0x80;
	s16 =	simm.s32 $0x20;
	v3 =	vand.u32 $0xFFFFF800, v3;
	v11 =	vmax.f32 v2, v9  }
0xcb: {  	v16 =	vimm.f32 $+Inf;
	s17 =	sand.u32 $0x1E00, s20;
	v5 =	vor.u32 s21, v3;
	s21 =	sand.u32 $0x70, s16;
	v7 =	vmax.f32 v2, v11  }
0xcc: {  	v14 =	vimm.f32 $+Inf;
	v15 =	vimm.f32 $+Inf;
	s18 =	sor.u32 s21, s17;
	v3 =	vmax.f32 v2, v7  }
0xcd: {  	v13 =	vimm.f32 $+Inf;
	v12 =	vimm.f32 $+Inf;
	v17 =	vld [tilespmem:s18+$0x2000];
	v8 =	vmax.f32 v2, v3  }
0xce: {  	v6 =	vor.u32 v0, v5;
	v4 =	vmin.f32 v2, v4;
	v5 =	vmax.f32 v2, v8  }
0xcf: {  	s17 =	simm.s32 $0x30;
	s18 =	simm.s32 $0xC0;
	v10 =	vmax.f32 v4, v6;
	v9 =	vmin.f32 v2, v9;
	v18 =	vmax.f32 v2, v5  }
.LBB2_2:
0xd0: {  	s19 =	sand.u32 $0x70, s17  }
0xd1: {  	s20 =	sand.u32 $0x1E00, s18;
	v2 =	vmin.f32 v2, v11;
	v11 =	vmax.f32 v9, v10;
	v16 =	vmin.f32 v16, v18;
	s21 =	smov.u32 s17;
	p0 =	sne.s32 s17, $0x7F0  }
.Ltmp0:
0xd2: {  	s17 =	sadd.s32 $0x10, s17;
	v14 =	vmin.f32 v14, v7;
	s19 =	sor.u32 s19, s20;
	v18 =	vand.u32 $0xFFFFF800, v17;
	v7 =	vmax.f32 v2, v11;
	(pc) =	sbr.rel @p0 .LBB2_2-.Ltmp0, $4  }
0xd3: {  	v15 =	vmin.f32 v15, v3;
	v17 =	vld [tilespmem:s19+$0x2000];
	v18 =	vor.u32 s16, v18;
	v3 =	vmax.f32 v14, v7;
	s16 =	smov.u32 s21  }
0xd4: {  	v13 =	vmin.f32 v13, v8;
	v18 =	vor.u32 v0, v18;
	v8 =	vmax.f32 v15, v3  }
0xd5: {  	v4 =	vmin.f32 v4, v6;
	v12 =	vmin.f32 v12, v5;
	v5 =	vmax.f32 v13, v8;
	v6 =	vmovc v18  }
0xd6: {  	s18 =	sadd.s32 $0x40, s18;
	v9 =	vmin.f32 v9, v10;
	v10 =	vmax.f32 v4, v6;
	v18 =	vmax.f32 v12, v5  }
0xd7: {  	v19 =	vmax.f32 v9, v10  }
0xd8: {  	v2 =	vmin.f32 v2, v11;
	v11 =	vmin.f32 v16, v18;
	v7 =	vmin.f32 v14, v7  }
0xd9: {  	v3 =	vmin.f32 v15, v3;
	v8 =	vmin.f32 v13, v8;
	v4 =	vmin.f32 v4, v6  }
0xda: {  	v9 =	vmin.f32 v9, v10;
	v16 =	vand.u32 $0xFFFFF800, v17;
	v17 =	vmax.f32 v2, v19  }
0xdb: {  	v5 =	vmin.f32 v12, v5;
	v14 =	vor.u32 s16, v16;
	v16 =	vmax.f32 v7, v17  }
0xdc: {  	v2 =	vmin.f32 v2, v19;
	v7 =	vmin.f32 v7, v17;
	v15 =	vmax.f32 v3, v16  }
0xdd: {  	v14 =	vor.u32 v0, v14;
	v3 =	vmin.f32 v3, v16;
	v6 =	vmax.f32 v8, v15  }
0xde: {  	v13 =	vmax.f32 v4, v14;
	v4 =	vmin.f32 v4, v14;
	v8 =	vmin.f32 v8, v15  }
0xdf: {  	v10 =	vmax.f32 v9, v13;
	v12 =	vmax.f32 v5, v6;
	v9 =	vmin.f32 v9, v13  }
0xe0: {  	(xrf1) =	vsort.ascd.msk.f32 $0xffff, v4, v4;
	v5 =	vmin.f32 v5, v6;
	v18 =	vmax.f32 v2, v10  }
0xe1: {  	v11 =	vmin.f32 v11, v12;
	v2 =	vmin.f32 v2, v10;
	(xrf1) =	vsort.ascd.msk.f32 $0xffff, v9, v9  }
0xe2: {  	v12 =	vmax.f32 v7, v18;
	v7 =	vmin.f32 v7, v18;
	(xrf1) =	vsort.ascd.msk.f32 $0xffff, v2, v2  }
0xe3: {  	v4 =	vmax.f32 v3, v12;
	v3 =	vmin.f32 v3, v12;
	(xrf1) =	vsort.ascd.msk.f32 $0xffff, v7, v7  }
0xe4: {  	v2 =	vmax.f32 v8, v4;
	v4 =	vmin.f32 v8, v4;
	(xrf1) =	vsort.ascd.msk.f32 $0xffff, v3, v3  }
0xe5: {  	v3 =	vmax.f32 v5, v2;
	v2 =	vmin.f32 v5, v2;
	(xrf1) =	vsort.ascd.msk.f32 $0xffff, v4, v4  }
0xe6: {  	v3 =	vmin.f32 v11, v3;
	(xrf1) =	vsort.ascd.msk.f32 $0xffff, v2, v2  }
0xe7: {  	(xrf1) =	vsort.ascd.msk.f32 $0xffff, v3, v3;
	_ =	sdelay $0x6  }
0xe8: {  	v2, _, _ =	vpop (xrf1)  }
0xe9: {  	v3, _, _ =	vpop (xrf1)  }
0xea: {  	v4, _, _ =	vpop (xrf1)  }
0xeb: {  	v5, _, _ =	vpop (xrf1)  }
0xec: {  	v6, _, _ =	vpop (xrf1)  }
0xed: {  	v3 =	vperm.xlane v3, v1;
	v7, _, _ =	vpop (xrf1)  }
0xee: {  	v5 =	vperm.xlane v5, v1;
	v8, _, _ =	vpop (xrf1)  }
0xef: {  	v2 =	vmin.f32 v2, v3;
	v3 =	vperm.xlane v7, v1;
	v9, _, _ =	vpop (xrf1)  }
0xf0: {  	(xrf1) =	vsort.ascd.msk.f32 $0xffff, v2, v2;
	v2 =	vmin.f32 v4, v5;
	v4 =	vperm.xlane v9, v1  }
0xf1: {  	(xrf1) =	vsort.ascd.msk.f32 $0xffff, v2, v2;
	v2 =	vmin.f32 v6, v3  }
0xf2: {  	(xrf1) =	vsort.ascd.msk.f32 $0xffff, v2, v2;
	v2 =	vmin.f32 v8, v4  }
0xf3: {  	(xrf1) =	vsort.ascd.msk.f32 $0xffff, v2, v2;
	_ =	sdelay $0xa  }
0xf4: {  	v2, _, _ =	vpop (xrf1)  }
0xf5: {  	v3, _, _ =	vpop (xrf1)  }
0xf6: {  	v4, _, _ =	vpop (xrf1)  }
0xf7: {  	v3 =	vperm.xlane v3, v1;
	v5, _, _ =	vpop (xrf1)  }
0xf8: {  	v5 =	vperm.xlane v5, v1  }
0xf9: {  	v2 =	vmin.f32 v2, v3  }
0xfa: {  	(xrf1) =	vsort.ascd.msk.f32 $0xffff, v2, v2;
	v2 =	vmin.f32 v4, v5  }
0xfb: {  	(xrf1) =	vsort.ascd.msk.f32 $0xffff, v2, v2;
	_ =	sdelay $0xc  }
0xfc: {  	v2, _, _ =	vpop (xrf1)  }
0xfd: {  	v3, _, _ =	vpop (xrf1)  }
0xfe: {  	v3 =	vperm.xlane v3, v1;
	_ =	sdelay $0x1  }
0xff: {  	v2 =	vmin.f32 v2, v3  }
0x100: {  	(xrf1) =	vsort.ascd.msk.f32 $0xffff, v2, v2;
	_ =	sdelay $0xd  }
0x101: {  	v2, _, _ =	vpop (xrf1)  }
0x102: {  	[tilespmem:$0x4000] =	vst v2  }
0x103: {  	s16 =	simm.s32 $0x0;
	_ =	swait.ge [sflag:s12], $0x800  }
0x104: {  	s17 =	sand.u32 $0x70, s16;
	s18 =	sand.u32 $0x1E00, s16;
	[sflag:s12] =	ssyncset.done $0x0  }
0x105: {  	s17 =	sor.u32 s17, s18;
	[sflag:s12] =	ssyncadd.s32 $0xFFFFF800  }
0x106: {  	s20 =	simm.s32 $0x10;
	s21 =	simm.s32 $0x40;
	v3 =	vld [tilespmem:s17+$0x2080]  }
0x107: {  	s19 =	sand.u32 $0x70, s20;
	s18 =	sand.u32 $0x1E00, s21  }
0x108: {  	s18 =	sor.u32 s19, s18  }
0x109: {  	v4 =	vld [tilespmem:s18+$0x2080];
	_ =	sdelay $0x1  }
0x10a: {  	v3 =	vand.u32 $0xFFFFF800, v3  }
0x10b: {  	v5 =	vor.u32 s16, v3  }
0x10c: {  	v3 =	vimm.f32 $+Inf;
	v5 =	vor.u32 v0, v5  }
0x10d: {  	v4 =	vand.u32 $0xFFFFF800, v4;
	v10 =	vmax.f32 v3, v5  }
0x10e: {  	v6 =	vor.u32 s20, v4;
	s16 =	simm.s32 $0x20;
	s20 =	simm.s32 $0x80;
	v12 =	vmax.f32 v3, v10  }
0x10f: {  	v17 =	vimm.f32 $+Inf;
	s21 =	sand.u32 $0x70, s16;
	s17 =	sand.u32 $0x1E00, s20;
	v8 =	vmax.f32 v3, v12  }
0x110: {  	v16 =	vimm.f32 $+Inf;
	v15 =	vimm.f32 $+Inf;
	s18 =	sor.u32 s21, s17;
	v4 =	vmax.f32 v3, v8  }
0x111: {  	v14 =	vimm.f32 $+Inf;
	v13 =	vimm.f32 $+Inf;
	v18 =	vld [tilespmem:s18+$0x2080];
	v9 =	vmax.f32 v3, v4  }
0x112: {  	v7 =	vor.u32 v0, v6;
	v5 =	vmin.f32 v3, v5;
	v6 =	vmax.f32 v3, v9  }
0x113: {  	s17 =	simm.s32 $0x30;
	v11 =	vmax.f32 v5, v7;
	v10 =	vmin.f32 v3, v10;
	s18 =	simm.s32 $0xC0;
	v19 =	vmax.f32 v3, v6  }
.LBB2_4:
0x114: {  	s19 =	sand.u32 $0x70, s17  }
0x115: {  	s20 =	sand.u32 $0x1E00, s18;
	v3 =	vmin.f32 v3, v12;
	v12 =	vmax.f32 v10, v11;
	v17 =	vmin.f32 v17, v19;
	s21 =	smov.u32 s17;
	p0 =	sne.s32 s17, $0x7F0  }
.Ltmp1:
0x116: {  	s17 =	sadd.s32 $0x10, s17;
	v15 =	vmin.f32 v15, v8;
	s19 =	sor.u32 s19, s20;
	v19 =	vand.u32 $0xFFFFF800, v18;
	v8 =	vmax.f32 v3, v12;
	(pc) =	sbr.rel @p0 .LBB2_4-.Ltmp1, $4  }
0x117: {  	v16 =	vmin.f32 v16, v4;
	v18 =	vld [tilespmem:s19+$0x2080];
	v19 =	vor.u32 s16, v19;
	v4 =	vmax.f32 v15, v8;
	s16 =	smov.u32 s21  }
0x118: {  	v14 =	vmin.f32 v14, v9;
	v19 =	vor.u32 v0, v19;
	v9 =	vmax.f32 v16, v4  }
0x119: {  	v5 =	vmin.f32 v5, v7;
	v13 =	vmin.f32 v13, v6;
	v6 =	vmax.f32 v14, v9;
	v7 =	vmovc v19  }
0x11a: {  	s18 =	sadd.s32 $0x40, s18;
	v10 =	vmin.f32 v10, v11;
	v11 =	vmax.f32 v5, v7;
	v19 =	vmax.f32 v13, v6  }
0x11b: {  	v20 =	vmax.f32 v10, v11  }
0x11c: {  	v3 =	vmin.f32 v3, v12;
	v12 =	vmin.f32 v17, v19;
	v8 =	vmin.f32 v15, v8  }
0x11d: {  	v4 =	vmin.f32 v16, v4;
	v9 =	vmin.f32 v14, v9;
	v5 =	vmin.f32 v5, v7  }
0x11e: {  	v10 =	vmin.f32 v10, v11;
	v17 =	vand.u32 $0xFFFFF800, v18;
	v18 =	vmax.f32 v3, v20  }
0x11f: {  	v6 =	vmin.f32 v13, v6;
	v15 =	vor.u32 s16, v17;
	v17 =	vmax.f32 v8, v18  }
0x120: {  	v3 =	vmin.f32 v3, v20;
	v8 =	vmin.f32 v8, v18;
	v16 =	vmax.f32 v4, v17  }
0x121: {  	v15 =	vor.u32 v0, v15;
	v4 =	vmin.f32 v4, v17;
	v7 =	vmax.f32 v9, v16  }
0x122: {  	v14 =	vmax.f32 v5, v15;
	v5 =	vmin.f32 v5, v15;
	v9 =	vmin.f32 v9, v16  }
0x123: {  	v11 =	vmax.f32 v10, v14;
	v13 =	vmax.f32 v6, v7;
	v10 =	vmin.f32 v10, v14  }
0x124: {  	(xrf1) =	vsort.ascd.msk.f32 $0xffff, v5, v5;
	v6 =	vmin.f32 v6, v7;
	v19 =	vmax.f32 v3, v11  }
0x125: {  	v12 =	vmin.f32 v12, v13;
	v3 =	vmin.f32 v3, v11;
	(xrf1) =	vsort.ascd.msk.f32 $0xffff, v10, v10  }
0x126: {  	v13 =	vmax.f32 v8, v19;
	v8 =	vmin.f32 v8, v19;
	(xrf1) =	vsort.ascd.msk.f32 $0xffff, v3, v3  }
0x127: {  	v5 =	vmax.f32 v4, v13;
	v4 =	vmin.f32 v4, v13;
	(xrf1) =	vsort.ascd.msk.f32 $0xffff, v8, v8  }
0x128: {  	v3 =	vmax.f32 v9, v5;
	v5 =	vmin.f32 v9, v5;
	(xrf1) =	vsort.ascd.msk.f32 $0xffff, v4, v4  }
0x129: {  	v4 =	vmax.f32 v6, v3;
	v3 =	vmin.f32 v6, v3;
	(xrf1) =	vsort.ascd.msk.f32 $0xffff, v5, v5  }
0x12a: {  	v4 =	vmin.f32 v12, v4;
	(xrf1) =	vsort.ascd.msk.f32 $0xffff, v3, v3  }
0x12b: {  	(xrf1) =	vsort.ascd.msk.f32 $0xffff, v4, v4;
	_ =	sdelay $0x6  }
0x12c: {  	v3, _, _ =	vpop (xrf1)  }
0x12d: {  	v4, _, _ =	vpop (xrf1)  }
0x12e: {  	v5, _, _ =	vpop (xrf1)  }
0x12f: {  	v6, _, _ =	vpop (xrf1)  }
0x130: {  	v7, _, _ =	vpop (xrf1)  }
0x131: {  	v4 =	vperm.xlane v4, v1;
	v8, _, _ =	vpop (xrf1)  }
0x132: {  	v6 =	vperm.xlane v6, v1;
	v9, _, _ =	vpop (xrf1)  }
0x133: {  	v3 =	vmin.f32 v3, v4;
	v4 =	vperm.xlane v8, v1;
	v10, _, _ =	vpop (xrf1)  }
0x134: {  	(xrf1) =	vsort.ascd.msk.f32 $0xffff, v3, v3;
	v3 =	vmin.f32 v5, v6;
	v5 =	vperm.xlane v10, v1  }
0x135: {  	(xrf1) =	vsort.ascd.msk.f32 $0xffff, v3, v3;
	v3 =	vmin.f32 v7, v4  }
0x136: {  	(xrf1) =	vsort.ascd.msk.f32 $0xffff, v3, v3;
	v3 =	vmin.f32 v9, v5  }
0x137: {  	(xrf1) =	vsort.ascd.msk.f32 $0xffff, v3, v3;
	_ =	sdelay $0xa  }
0x138: {  	v3, _, _ =	vpop (xrf1)  }
0x139: {  	v4, _, _ =	vpop (xrf1)  }
0x13a: {  	v5, _, _ =	vpop (xrf1)  }
0x13b: {  	v4 =	vperm.xlane v4, v1;
	v6, _, _ =	vpop (xrf1)  }
0x13c: {  	v6 =	vperm.xlane v6, v1  }
0x13d: {  	v3 =	vmin.f32 v3, v4  }
0x13e: {  	(xrf1) =	vsort.ascd.msk.f32 $0xffff, v3, v3;
	v3 =	vmin.f32 v5, v6  }
0x13f: {  	(xrf1) =	vsort.ascd.msk.f32 $0xffff, v3, v3;
	_ =	sdelay $0xc  }
0x140: {  	v3, _, _ =	vpop (xrf1)  }
0x141: {  	v4, _, _ =	vpop (xrf1)  }
0x142: {  	v4 =	vperm.xlane v4, v1;
	_ =	sdelay $0x1  }
0x143: {  	v3 =	vmin.f32 v3, v4  }
0x144: {  	(xrf1) =	vsort.ascd.msk.f32 $0xffff, v3, v3;
	_ =	sdelay $0xd  }
0x145: {  	v3, _, _ =	vpop (xrf1)  }
0x146: {  	[tilespmem:$0x4080] =	vst v3  }
0x147: {  	s16 =	simm.s32 $0x0;
	_ =	swait.ge [sflag:s12], $0x800  }
0x148: {  	s17 =	sand.u32 $0x70, s16;
	s18 =	sand.u32 $0x1E00, s16;
	[sflag:s12] =	ssyncset.done $0x0  }
0x149: {  	s17 =	sor.u32 s17, s18;
	[sflag:s12] =	ssyncadd.s32 $0xFFFFF800  }
0x14a: {  	s20 =	simm.s32 $0x10;
	s21 =	simm.s32 $0x40;
	v3 =	vld [tilespmem:s17+$0x2100]  }
0x14b: {  	s19 =	sand.u32 $0x70, s20;
	s18 =	sand.u32 $0x1E00, s21  }
0x14c: {  	s18 =	sor.u32 s19, s18  }
0x14d: {  	v4 =	vld [tilespmem:s18+$0x2100];
	_ =	sdelay $0x1  }
0x14e: {  	v3 =	vand.u32 $0xFFFFF800, v3  }
0x14f: {  	v5 =	vor.u32 s16, v3  }
0x150: {  	v3 =	vimm.f32 $+Inf;
	v5 =	vor.u32 v0, v5  }
0x151: {  	v4 =	vand.u32 $0xFFFFF800, v4;
	v10 =	vmax.f32 v3, v5  }
0x152: {  	v6 =	vor.u32 s20, v4;
	s16 =	simm.s32 $0x20;
	s20 =	simm.s32 $0x80;
	v12 =	vmax.f32 v3, v10  }
0x153: {  	v17 =	vimm.f32 $+Inf;
	s21 =	sand.u32 $0x70, s16;
	s17 =	sand.u32 $0x1E00, s20;
	v8 =	vmax.f32 v3, v12  }
0x154: {  	v15 =	vimm.f32 $+Inf;
	v16 =	vimm.f32 $+Inf;
	s18 =	sor.u32 s21, s17;
	v4 =	vmax.f32 v3, v8  }
0x155: {  	v14 =	vimm.f32 $+Inf;
	v13 =	vimm.f32 $+Inf;
	v18 =	vld [tilespmem:s18+$0x2100];
	v9 =	vmax.f32 v3, v4  }
0x156: {  	v7 =	vor.u32 v0, v6;
	v5 =	vmin.f32 v3, v5;
	v6 =	vmax.f32 v3, v9  }
0x157: {  	s17 =	simm.s32 $0x30;
	v11 =	vmax.f32 v5, v7;
	v10 =	vmin.f32 v3, v10;
	s18 =	simm.s32 $0xC0;
	v19 =	vmax.f32 v3, v6  }
.LBB2_6:
0x158: {  	s19 =	sand.u32 $0x70, s17  }
0x159: {  	s20 =	sand.u32 $0x1E00, s18;
	v3 =	vmin.f32 v3, v12;
	v12 =	vmax.f32 v10, v11;
	v17 =	vmin.f32 v17, v19;
	s21 =	smov.u32 s17;
	p0 =	sne.s32 s17, $0x7F0  }
.Ltmp2:
0x15a: {  	s17 =	sadd.s32 $0x10, s17;
	v15 =	vmin.f32 v15, v8;
	s19 =	sor.u32 s19, s20;
	v19 =	vand.u32 $0xFFFFF800, v18;
	v8 =	vmax.f32 v3, v12;
	(pc) =	sbr.rel @p0 .LBB2_6-.Ltmp2, $4  }
0x15b: {  	v16 =	vmin.f32 v16, v4;
	v18 =	vld [tilespmem:s19+$0x2100];
	v19 =	vor.u32 s16, v19;
	v4 =	vmax.f32 v15, v8;
	s16 =	smov.u32 s21  }
0x15c: {  	v14 =	vmin.f32 v14, v9;
	v19 =	vor.u32 v0, v19;
	v9 =	vmax.f32 v16, v4  }
0x15d: {  	v5 =	vmin.f32 v5, v7;
	v13 =	vmin.f32 v13, v6;
	v6 =	vmax.f32 v14, v9;
	v7 =	vmovc v19  }
0x15e: {  	s18 =	sadd.s32 $0x40, s18;
	v10 =	vmin.f32 v10, v11;
	v11 =	vmax.f32 v5, v7;
	v19 =	vmax.f32 v13, v6  }
0x15f: {  	v20 =	vmax.f32 v10, v11  }
0x160: {  	v3 =	vmin.f32 v3, v12;
	v12 =	vmin.f32 v17, v19;
	v8 =	vmin.f32 v15, v8  }
0x161: {  	v4 =	vmin.f32 v16, v4;
	v9 =	vmin.f32 v14, v9;
	v5 =	vmin.f32 v5, v7  }
0x162: {  	v10 =	vmin.f32 v10, v11;
	v17 =	vand.u32 $0xFFFFF800, v18;
	v18 =	vmax.f32 v3, v20  }
0x163: {  	v6 =	vmin.f32 v13, v6;
	v15 =	vor.u32 s16, v17;
	v17 =	vmax.f32 v8, v18  }
0x164: {  	v3 =	vmin.f32 v3, v20;
	v8 =	vmin.f32 v8, v18;
	v16 =	vmax.f32 v4, v17  }
0x165: {  	v15 =	vor.u32 v0, v15;
	v4 =	vmin.f32 v4, v17;
	v7 =	vmax.f32 v9, v16  }
0x166: {  	v14 =	vmax.f32 v5, v15;
	v5 =	vmin.f32 v5, v15;
	v9 =	vmin.f32 v9, v16  }
0x167: {  	v11 =	vmax.f32 v10, v14;
	v13 =	vmax.f32 v6, v7;
	v10 =	vmin.f32 v10, v14  }
0x168: {  	(xrf1) =	vsort.ascd.msk.f32 $0xffff, v5, v5;
	v6 =	vmin.f32 v6, v7;
	v19 =	vmax.f32 v3, v11  }
0x169: {  	v12 =	vmin.f32 v12, v13;
	v3 =	vmin.f32 v3, v11;
	(xrf1) =	vsort.ascd.msk.f32 $0xffff, v10, v10  }
0x16a: {  	v13 =	vmax.f32 v8, v19;
	v8 =	vmin.f32 v8, v19;
	(xrf1) =	vsort.ascd.msk.f32 $0xffff, v3, v3  }
0x16b: {  	v5 =	vmax.f32 v4, v13;
	v4 =	vmin.f32 v4, v13;
	(xrf1) =	vsort.ascd.msk.f32 $0xffff, v8, v8  }
0x16c: {  	v3 =	vmax.f32 v9, v5;
	v5 =	vmin.f32 v9, v5;
	(xrf1) =	vsort.ascd.msk.f32 $0xffff, v4, v4  }
0x16d: {  	v4 =	vmax.f32 v6, v3;
	v3 =	vmin.f32 v6, v3;
	(xrf1) =	vsort.ascd.msk.f32 $0xffff, v5, v5  }
0x16e: {  	v4 =	vmin.f32 v12, v4;
	(xrf1) =	vsort.ascd.msk.f32 $0xffff, v3, v3  }
0x16f: {  	(xrf1) =	vsort.ascd.msk.f32 $0xffff, v4, v4;
	_ =	sdelay $0x6  }
0x170: {  	v3, _, _ =	vpop (xrf1)  }
0x171: {  	v4, _, _ =	vpop (xrf1)  }
0x172: {  	v5, _, _ =	vpop (xrf1)  }
0x173: {  	v6, _, _ =	vpop (xrf1)  }
0x174: {  	v7, _, _ =	vpop (xrf1)  }
0x175: {  	v4 =	vperm.xlane v4, v1;
	v8, _, _ =	vpop (xrf1)  }
0x176: {  	v6 =	vperm.xlane v6, v1;
	v9, _, _ =	vpop (xrf1)  }
0x177: {  	v3 =	vmin.f32 v3, v4;
	v4 =	vperm.xlane v8, v1;
	v10, _, _ =	vpop (xrf1)  }
0x178: {  	(xrf1) =	vsort.ascd.msk.f32 $0xffff, v3, v3;
	v3 =	vmin.f32 v5, v6;
	v5 =	vperm.xlane v10, v1  }
0x179: {  	(xrf1) =	vsort.ascd.msk.f32 $0xffff, v3, v3;
	v3 =	vmin.f32 v7, v4  }
0x17a: {  	(xrf1) =	vsort.ascd.msk.f32 $0xffff, v3, v3;
	v3 =	vmin.f32 v9, v5  }
0x17b: {  	(xrf1) =	vsort.ascd.msk.f32 $0xffff, v3, v3;
	_ =	sdelay $0xa  }
0x17c: {  	v3, _, _ =	vpop (xrf1)  }
0x17d: {  	v4, _, _ =	vpop (xrf1)  }
0x17e: {  	v5, _, _ =	vpop (xrf1)  }
0x17f: {  	v4 =	vperm.xlane v4, v1;
	v6, _, _ =	vpop (xrf1)  }
0x180: {  	v6 =	vperm.xlane v6, v1  }
0x181: {  	v3 =	vmin.f32 v3, v4  }
0x182: {  	(xrf1) =	vsort.ascd.msk.f32 $0xffff, v3, v3;
	v3 =	vmin.f32 v5, v6  }
0x183: {  	(xrf1) =	vsort.ascd.msk.f32 $0xffff, v3, v3;
	_ =	sdelay $0xc  }
0x184: {  	v3, _, _ =	vpop (xrf1)  }
0x185: {  	v4, _, _ =	vpop (xrf1)  }
0x186: {  	v4 =	vperm.xlane v4, v1;
	_ =	sdelay $0x1  }
0x187: {  	v3 =	vmin.f32 v3, v4  }
0x188: {  	(xrf1) =	vsort.ascd.msk.f32 $0xffff, v3, v3;
	_ =	sdelay $0xd  }
0x189: {  	v3, _, _ =	vpop (xrf1)  }
0x18a: {  	[tilespmem:$0x4100] =	vst v3  }
0x18b: {  	s16 =	simm.s32 $0x0;
	_ =	swait.ge [sflag:s12], $0x800  }
0x18c: {  	s17 =	sand.u32 $0x70, s16;
	s18 =	sand.u32 $0x1E00, s16;
	[sflag:s12] =	ssyncset.done $0x0  }
0x18d: {  	s17 =	sor.u32 s17, s18;
	[sflag:s12] =	ssyncadd.s32 $0xFFFFF800  }
0x18e: {  	s20 =	simm.s32 $0x10;
	s21 =	simm.s32 $0x40;
	v3 =	vld [tilespmem:s17+$0x2180]  }
0x18f: {  	s19 =	sand.u32 $0x70, s20;
	s18 =	sand.u32 $0x1E00, s21  }
0x190: {  	s18 =	sor.u32 s19, s18  }
0x191: {  	v4 =	vld [tilespmem:s18+$0x2180];
	_ =	sdelay $0x1  }
0x192: {  	v3 =	vand.u32 $0xFFFFF800, v3  }
0x193: {  	v5 =	vor.u32 s16, v3  }
0x194: {  	v3 =	vimm.f32 $+Inf;
	v5 =	vor.u32 v0, v5  }
0x195: {  	v4 =	vand.u32 $0xFFFFF800, v4;
	v10 =	vmax.f32 v3, v5  }
0x196: {  	v6 =	vor.u32 s20, v4;
	s16 =	simm.s32 $0x20;
	s20 =	simm.s32 $0x80;
	v12 =	vmax.f32 v3, v10  }
0x197: {  	v17 =	vimm.f32 $+Inf;
	s21 =	sand.u32 $0x70, s16;
	s17 =	sand.u32 $0x1E00, s20;
	v8 =	vmax.f32 v3, v12  }
0x198: {  	v15 =	vimm.f32 $+Inf;
	v16 =	vimm.f32 $+Inf;
	s18 =	sor.u32 s21, s17;
	v4 =	vmax.f32 v3, v8  }
0x199: {  	v14 =	vimm.f32 $+Inf;
	v13 =	vimm.f32 $+Inf;
	v18 =	vld [tilespmem:s18+$0x2180];
	v9 =	vmax.f32 v3, v4  }
0x19a: {  	v7 =	vor.u32 v0, v6;
	v5 =	vmin.f32 v3, v5;
	v6 =	vmax.f32 v3, v9  }
0x19b: {  	s17 =	simm.s32 $0x30;
	v11 =	vmax.f32 v5, v7;
	v10 =	vmin.f32 v3, v10;
	s18 =	simm.s32 $0xC0;
	v19 =	vmax.f32 v3, v6  }
.LBB2_8:
0x19c: {  	s19 =	sand.u32 $0x70, s17  }
0x19d: {  	s20 =	sand.u32 $0x1E00, s18;
	v3 =	vmin.f32 v3, v12;
	v12 =	vmax.f32 v10, v11;
	v17 =	vmin.f32 v17, v19;
	s21 =	smov.u32 s17;
	p0 =	sne.s32 s17, $0x7F0  }
.Ltmp3:
0x19e: {  	s17 =	sadd.s32 $0x10, s17;
	v15 =	vmin.f32 v15, v8;
	s19 =	sor.u32 s19, s20;
	v19 =	vand.u32 $0xFFFFF800, v18;
	v8 =	vmax.f32 v3, v12;
	(pc) =	sbr.rel @p0 .LBB2_8-.Ltmp3, $4  }
0x19f: {  	v16 =	vmin.f32 v16, v4;
	v18 =	vld [tilespmem:s19+$0x2180];
	v19 =	vor.u32 s16, v19;
	v4 =	vmax.f32 v15, v8;
	s16 =	smov.u32 s21  }
0x1a0: {  	v14 =	vmin.f32 v14, v9;
	v19 =	vor.u32 v0, v19;
	v9 =	vmax.f32 v16, v4  }
0x1a1: {  	v5 =	vmin.f32 v5, v7;
	v13 =	vmin.f32 v13, v6;
	v6 =	vmax.f32 v14, v9;
	v7 =	vmovc v19  }
0x1a2: {  	s18 =	sadd.s32 $0x40, s18;
	v10 =	vmin.f32 v10, v11;
	v11 =	vmax.f32 v5, v7;
	v19 =	vmax.f32 v13, v6  }
0x1a3: {  	v20 =	vmax.f32 v10, v11  }
0x1a4: {  	v3 =	vmin.f32 v3, v12;
	v34 =	vmin.f32 v17, v19;
	v8 =	vmin.f32 v15, v8  }
0x1a5: {  	v4 =	vmin.f32 v16, v4;
	v9 =	vmin.f32 v14, v9;
	v5 =	vmin.f32 v5, v7  }
0x1a6: {  	v41 =	vmin.f32 v10, v11;
	v6 =	vmin.f32 v13, v6;
	v36 =	vmax.f32 v3, v20  }
0x1a7: {  	v35 =	vand.u32 $0xFFFFF800, v18;
	v3 =	vmin.f32 v3, v20;
	v38 =	vmax.f32 v8, v36  }
0x1a8: {  	v37 =	vor.u32 s16, v35;
	v8 =	vmin.f32 v8, v36;
	v16 =	vmax.f32 v4, v38  }
0x1a9: {  	v15 =	vor.u32 v0, v37;
	v4 =	vmin.f32 v4, v38;
	v39 =	vmax.f32 v9, v16  }
0x1aa: {  	v40 =	vmax.f32 v5, v15;
	v5 =	vmin.f32 v5, v15;
	v9 =	vmin.f32 v9, v16  }
0x1ab: {  	v11 =	vmax.f32 v41, v40;
	v13 =	vmax.f32 v6, v39;
	v10 =	vmin.f32 v41, v40  }
0x1ac: {  	(xrf1) =	vsort.ascd.msk.f32 $0xffff, v5, v5;
	v6 =	vmin.f32 v6, v39;
	v42 =	vmax.f32 v3, v11  }
0x1ad: {  	v12 =	vmin.f32 v34, v13;
	v3 =	vmin.f32 v3, v11;
	(xrf1) =	vsort.ascd.msk.f32 $0xffff, v10, v10  }
0x1ae: {  	v43 =	vmax.f32 v8, v42;
	v8 =	vmin.f32 v8, v42;
	(xrf1) =	vsort.ascd.msk.f32 $0xffff, v3, v3  }
0x1af: {  	v44 =	vmax.f32 v4, v43;
	v4 =	vmin.f32 v4, v43;
	(xrf1) =	vsort.ascd.msk.f32 $0xffff, v8, v8  }
0x1b0: {  	v3 =	vmax.f32 v9, v44;
	v5 =	vmin.f32 v9, v44;
	(xrf1) =	vsort.ascd.msk.f32 $0xffff, v4, v4  }
0x1b1: {  	v45 =	vmax.f32 v6, v3;
	v3 =	vmin.f32 v6, v3;
	(xrf1) =	vsort.ascd.msk.f32 $0xffff, v5, v5  }
0x1b2: {  	v4 =	vmin.f32 v12, v45;
	(xrf1) =	vsort.ascd.msk.f32 $0xffff, v3, v3  }
0x1b3: {  	(xrf1) =	vsort.ascd.msk.f32 $0xffff, v4, v4;
	_ =	sdelay $0x6  }
0x1b4: {  	v3, _, _ =	vpop (xrf1)  }
0x1b5: {  	v46, _, _ =	vpop (xrf1)  }
0x1b6: {  	v47, _, _ =	vpop (xrf1)  }
0x1b7: {  	v48, _, _ =	vpop (xrf1)  }
0x1b8: {  	v49, _, _ =	vpop (xrf1)  }
0x1b9: {  	v4 =	vperm.xlane v46, v1;
	v50, _, _ =	vpop (xrf1)  }
0x1ba: {  	v6 =	vperm.xlane v48, v1;
	v51, _, _ =	vpop (xrf1)  }
0x1bb: {  	v3 =	vmin.f32 v3, v4;
	v53 =	vperm.xlane v50, v1;
	v52, _, _ =	vpop (xrf1)  }
0x1bc: {  	(xrf1) =	vsort.ascd.msk.f32 $0xffff, v3, v3;
	v3 =	vmin.f32 v47, v6;
	v54 =	vperm.xlane v52, v1  }
0x1bd: {  	(xrf1) =	vsort.ascd.msk.f32 $0xffff, v3, v3;
	v3 =	vmin.f32 v49, v53  }
0x1be: {  	(xrf1) =	vsort.ascd.msk.f32 $0xffff, v3, v3;
	v3 =	vmin.f32 v51, v54  }
0x1bf: {  	(xrf1) =	vsort.ascd.msk.f32 $0xffff, v3, v3;
	_ =	sdelay $0xa  }
0x1c0: {  	v3, _, _ =	vpop (xrf1)  }
0x1c1: {  	v55, _, _ =	vpop (xrf1)  }
0x1c2: {  	v56, _, _ =	vpop (xrf1)  }
0x1c3: {  	v4 =	vperm.xlane v55, v1;
	v57, _, _ =	vpop (xrf1)  }
0x1c4: {  	v6 =	vperm.xlane v57, v1  }
0x1c5: {  	v3 =	vmin.f32 v3, v4  }
0x1c6: {  	(xrf1) =	vsort.ascd.msk.f32 $0xffff, v3, v3;
	v3 =	vmin.f32 v56, v6  }
0x1c7: {  	(xrf1) =	vsort.ascd.msk.f32 $0xffff, v3, v3;
	_ =	sdelay $0xc  }
0x1c8: {  	v3, _, _ =	vpop (xrf1)  }
0x1c9: {  	v58, _, _ =	vpop (xrf1)  }
0x1ca: {  	v4 =	vperm.xlane v58, v1;
	_ =	sdelay $0x1  }
0x1cb: {  	v3 =	vmin.f32 v3, v4  }
0x1cc: {  	(xrf1) =	vsort.ascd.msk.f32 $0xffff, v3, v3;
	_ =	sdelay $0xd  }
0x1cd: {  	v3, _, _ =	vpop (xrf1)  }
0x1ce: {  	[tilespmem:$0x4180] =	vst v3  }
0x1cf: {  	_ =	swait.ge [sflag:s13], $0x2000  }
0x1d0: {  	[sflag:s13] =	ssyncset.done $0x0  }
0x1d1: {  	[sflag:s13] =	ssyncadd.s32 $0xFFFFE000  }
0x1d2: {  	v3 =	vshll.u32 v2, $0x2;
	v59 =	vld [tilespmem:$0x4080]  }
0x1d3: {  	v2 =	vand.u32 $0x7F, v2;
	v3 =	vand.u32 $0x1E00, v3  }
0x1d4: {  	v2 =	vor.u32 v2, v3;
	_ =	sdelay $0x2  }
0x1d5: {  	v3 =	vshll.u32 v59, $0x2  }
0x1d6: {  	v60 =	vld [tilespmem:$0x4100];
	v4 =	vand.u32 $0x7F, v59;
	v3 =	vand.u32 $0x1E00, v3  }
0x1d7: {  	v2 =	vld.idx.msk [tilespmem:v2+s2+$0x0], $0xffff;
	v3 =	vor.u32 v3, v4  }
0x1d8: {  	v3 =	vor.u32 $0x80, v3;
	_ =	sdelay $0x2  }
0x1d9: {  	v61 =	vshll.u32 v60, $0x2  }
0x1da: {  	v62 =	vld [tilespmem:$0x4180];
	v4 =	vand.u32 $0x1E00, v61;
	[tilespmem:$0x4200] =	vst v2;
	v2 =	vand.u32 $0x7F, v60  }
0x1db: {  	v2 =	vor.u32 v4, v2;
	v3 =	vld.idx.msk [tilespmem:v3+s2+$0x0], $0xffff  }
0x1dc: {  	v2 =	vor.u32 $0x100, v2;
	_ =	sdelay $0x2  }
0x1dd: {  	v63 =	vshll.u32 v62, $0x2  }
0x1de: {  	v4 =	vand.u32 $0x1E00, v63;
	[tilespmem:$0x4280] =	vst v3;
	v3 =	vand.u32 $0x7F, v62  }
0x1df: {  	v2 =	vld.idx.msk [tilespmem:v2+s2+$0x0], $0xffff;
	v3 =	vor.u32 v4, v3  }
0x1e0: {  	v3 =	vor.u32 $0x180, v3;
	_ =	sdelay $0x3  }
0x1e1: {  	[tilespmem:$0x4300] =	vst v2  }
0x1e2: {  	v2 =	vld.idx.msk [tilespmem:v3+s2+$0x0], $0xffff;
	_ =	sdelay $0x4  }
0x1e3: {  	s17 =	simm.s32 $0x4200;
	s20 =	rddreg [dreg:$0x8];
	[tilespmem:$0x4380] =	vst v2  }
0x1e4: {  	[hbm4b:s20+s2] =	stream.linear.scatter [tilespmem:s17], [sflag:$0x3], $0x200, $0x38;
	[tilespmem:$0x4400] =	vst v63  }
0x1e5: {  	_ =	swait.ge [sflag:s14], $0x200  }
0x1e6: {  	s15 =	sadd.s32 $0x1, s15;
	s21 =	rddreg [dreg:$0x9]  }
0x1e7: {  	p0 =	sne.s32 s15, s21  }
.Ltmp4:
0x1e8: {  	_ = 	snop;
	(pc) =	sbr.rel @p0 .LBB2_1-.Ltmp4, $3  }
0x1e9: {  	_ =	sdelay $0x1  }
0x1ea: {  	[sflag:s14] =	ssyncset.done $0x0  }
0x1eb: {  	[sflag:s14] =	ssyncadd.s32 $0xFFFFFE00  }
0x1ec: {  	_ =	sfence.sel $0x180000  }
0x1ed: {  	[bflag:$0x0] =	sbarrier.arrive $0xFFFF  }
0x1ee: {  	_ =	strace $0x90000047  }
0x1ef: {  	s0 =	stileid.u32;
	[bflag:$0x2] =	sbarrier.arrive $0xFFFF  }
0x1f0: {  	p0 =	sne.s32 s0, $0x0;
	s0 =	rddreg [dreg:$0x3]  }
0x1f1: {  	s0 =	sadd.s32 @!p0 $0x100000, s0  }
0x1f2: {  	[sflag:s0] =	ssyncadd.tile.s32 @!p0 $0x1;
	_ =	shalt  }
.Lfunc_end2:
_tile_overlayer_lowered:
.L_overlay_start_2:
0x1f3: {  	(tag) =	ssettag $0x2  }
0x1f4: {  	s0 =	rddreg [dreg:$0x0];
	s2 =	stileid.u32  }
0x1f5: {  	s1 =	rddreg [dreg:$0x1];
	p0 =	sne.s32 s2, $0x0  }
0x1f6: {  	s3 =	rddreg [dreg:$0x2];
	[bflag:$0x3] =	sbarrier.arrive $0xFFFF;
	s2 =	simm.s32 @!p0 $0x1C03  }
0x1f7: {  	[timem:s3], [sflag:s2] =	dma.local @!p0 [hbm:s0], s1  }
0x1f8: {  	s0 =	simm.s32 @!p0 $0x3  }
0x1f9: {  	_ =	swait.ge @!p0 [sflag:s0], s1  }
0x1fa: {  	s1 =	ssub.s32 @!p0 $0x0, s1;
	[sflag:s0] =	ssyncset.done @!p0 $0x0  }
0x1fb: {  	[sflag:s0] =	ssyncadd.s32 @!p0 s1  }
0x1fc: {  	[bflag:$0x3] =	sbarrier.arrive $0xFFFF  }
0x1fd: {  	_ =	shalt  }

</sc_bundles>
